<compile_context>
chip_gen: v7x
topology: tpu7x:2x2x1
jax: 0.10.2.dev20260603
libtpu: 0.0.44.dev20260713+nightly
codegen_flags: <defaults>
</compile_context>

<pallas_src>
import functools

import jax
import jax.numpy as jnp
from jax import lax
from jax.experimental import pallas as pl
from jax.experimental.pallas import tpu as pltpu
from jax.experimental.pallas import tpu_sc as plsc

_TEMP = 0.05
_K = 256
_EPS = 1e-6
_MASK_KEY = -1073741825
_CH = 128
_BIG = 1 << 20


def _keyify(s):
    b = lax.bitcast_convert_type(s, jnp.int32)
    return jnp.where(b >= 0, b, b ^ jnp.int32(0x7FFFFFFF))


def _unkey(k):
    b = jnp.where(k >= 0, k, k ^ jnp.int32(0x7FFFFFFF))
    return lax.bitcast_convert_type(b, jnp.float32)


def _s1_body(ROWS, NB, B, D, N):
    NJ = N // NB
    CPB = NB // _CH
    inv_t = 1.0 / _TEMP

    def body(x_ref, ema_ref, tgtc_ref, tgtr_ref, f_ref,
             keys_ref, pos_ref, mkey_ref, spos_ref, xn_ref, kms_ref):
        j = pl.program_id(0)

        @pl.when(j == 0)
        def _prep():
            x = x_ref[...]
            xn = x / (jnp.sqrt(jnp.sum(x * x, axis=1, keepdims=True)) + 1e-12)
            xn_ref[...] = xn
            ema = ema_ref[...]
            eman = ema / (jnp.sqrt(jnp.sum(ema * ema, axis=1, keepdims=True)) + 1e-12)
            bs = lax.dot_general(xn, eman, (((1,), (1,)), ((), ())),
                                 preferred_element_type=jnp.float32)
            bs = jnp.exp(bs * inv_t)
            pos = tgtc_ref[...] == tgtr_ref[...]
            spos_ref[...] = jnp.min(jnp.where(pos, bs, jnp.inf), axis=1, keepdims=True)

        xn = xn_ref[...]
        f = f_ref[...]
        s = lax.dot_general(xn, f, (((1,), (1,)), ((), ())),
                            preferred_element_type=jnp.float32)
        key = _keyify(s)
        col = lax.broadcasted_iota(jnp.int32, (ROWS, NB), 1) + j * NB
        t16 = tgtc_ref[...] * 16
        bmask = (col >= t16) & (col < t16 + 16)
        key = jnp.where(bmask, jnp.int32(_MASK_KEY), key)
        kparts = []
        for c in range(CPB):
            piece = key[:, c * _CH:(c + 1) * _CH]
            keys_ref[c] = piece
            kparts.append(jnp.max(piece, axis=1, keepdims=True))
        km = jnp.concatenate(kparts, axis=1)
        kms_ref[:, j] = km

        @pl.when(j == NJ - 1)
        def _search():
            NCH = NJ * CPB
            kms = kms_ref[...].reshape(ROWS, NCH)
            ones = jnp.ones((NCH, 1), jnp.float32)
            lo0 = jnp.min(kms, axis=1, keepdims=True)
            hi0 = jnp.max(kms, axis=1, keepdims=True) + 1

            def count_ge(th):
                gef = (kms >= th).astype(jnp.float32)
                return lax.dot_general(gef, ones, (((1,), (0,)), ((), ())),
                                       preferred_element_type=jnp.float32)

            def scond(carry):
                lo, hi = carry
                return jnp.max(hi - lo) > 1

            def sbody(carry):
                lo, hi = carry
                mid = lo + (hi - lo) // 2
                ge = count_ge(mid) >= _K
                return jnp.where(ge, mid, lo), jnp.where(ge, hi, mid)

            lo, _ = lax.while_loop(scond, sbody, (lo0, hi0))
            mkey_ref[...] = lo

            uT = (lax.broadcasted_iota(jnp.int32, (NCH, NCH), 0)
                  < lax.broadcasted_iota(jnp.int32, (NCH, NCH), 1)).astype(jnp.float32)
            gt = kms > lo
            eq = kms == lo
            gtf = gt.astype(jnp.float32)
            eqf = eq.astype(jnp.float32)
            both = jnp.concatenate([gtf, eqf], axis=0)
            pref = lax.dot_general(both, uT, (((1,), (0,)), ((), ())),
                                   preferred_element_type=jnp.float32)
            cntgt = lax.dot_general(gtf, ones, (((1,), (0,)), ((), ())),
                                    preferred_element_type=jnp.float32)
            posP = jnp.where(gt, pref[:ROWS].astype(jnp.int32),
                             jnp.where(eq, cntgt.astype(jnp.int32)
                                       + pref[ROWS:].astype(jnp.int32),
                                       jnp.int32(_BIG)))
            pos_ref[...] = posP

    return body


def _stage1(inputs, inputs_ema, tgtc, tgtr, features, B, D, N):
    ROWS = B
    NB = 2048 if N % 2048 == 0 else N
    NJ = N // NB
    CPB = NB // _CH
    NCH = N // _CH
    return pl.pallas_call(
        _s1_body(ROWS, NB, B, D, N),
        grid=(NJ,),
        in_specs=[
            pl.BlockSpec((B, D), lambda j: (0, 0)),
            pl.BlockSpec((B, D), lambda j: (0, 0)),
            pl.BlockSpec((B, 1), lambda j: (0, 0)),
            pl.BlockSpec((1, B), lambda j: (0, 0)),
            pl.BlockSpec((NB, D), lambda j: (j, 0)),
        ],
        out_specs=[
            pl.BlockSpec((CPB, B, _CH), lambda j: (j, 0, 0)),
            pl.BlockSpec((B, NCH), lambda j: (0, 0)),
            pl.BlockSpec((B, 1), lambda j: (0, 0)),
            pl.BlockSpec((B, 1), lambda j: (0, 0)),
        ],
        out_shape=[
            jax.ShapeDtypeStruct((NCH, B, _CH), jnp.int32),
            jax.ShapeDtypeStruct((B, NCH), jnp.int32),
            jax.ShapeDtypeStruct((B, 1), jnp.int32),
            jax.ShapeDtypeStruct((B, 1), jnp.float32),
        ],
        scratch_shapes=[
            pltpu.VMEM((B, D), jnp.float32),
            pltpu.VMEM((B, NJ, CPB), jnp.int32),
        ],
    )(inputs, inputs_ema, tgtc, tgtr, features)


def _sc_compact_gather(posP, keys2d, B, NCH):
    mesh = plsc.VectorSubcoreMesh(core_axis_name="c", subcore_axis_name="s")
    NW = 32
    RPW = B // NW
    VPR = NCH // 16

    @functools.partial(
        pl.kernel, mesh=mesh,
        compiler_params=pltpu.CompilerParams(needs_layout_passes=False),
        out_type=jax.ShapeDtypeStruct((B * _K, _CH), jnp.int32),
        scratch_types=[
            pltpu.VMEM((NCH,), jnp.int32),
            pltpu.VMEM((128,), jnp.int32),
            pltpu.VMEM((128,), jnp.int32),
            pltpu.VMEM((_K, _CH), jnp.int32),
            pltpu.SemaphoreType.DMA,
        ],
    )
    def sc_k(pos_hbm, keys2_hbm, cand_hbm,
             posrow, idxv0, idxv1, candv, sem):
        cid = lax.axis_index("c")
        sid = lax.axis_index("s")
        wid = sid * 2 + cid
        iota16 = lax.iota(jnp.int32, 16)

        for k in range(RPW):
            r = wid * RPW + k
            pltpu.sync_copy(pos_hbm.at[pl.ds(r * NCH, NCH)], posrow)

            def p1(i2, _c):
                v = posrow[pl.ds(i2 * 16, 16)]
                ids = (iota16 + i2 * 16) * B + r
                m0 = v < 128
                m1 = (v >= 128) & (v < _K)
                plsc.store_scatter(idxv0, [v], ids, mask=m0)
                plsc.store_scatter(idxv1, [v - 128], ids, mask=m1)
                return _c

            lax.fori_loop(0, VPR, p1, jnp.int32(0))
            pltpu.async_copy(keys2_hbm.at[idxv0],
                             candv.at[pl.ds(0, 128)], sem).wait()
            pltpu.async_copy(keys2_hbm.at[idxv1],
                             candv.at[pl.ds(128, 128)], sem).wait()
            pltpu.sync_copy(candv, cand_hbm.at[pl.ds(r * _K, _K)])

    posf = posP.reshape(B * NCH)
    return sc_k(posf, keys2d).reshape(B, _K, _CH)


def _s3_body(ROWS, B):
    inv_t = 1.0 / _TEMP

    def body(cand_ref, mkey_ref, spos_ref, out_ref):
        i = pl.program_id(0)
        cand = cand_ref[...].reshape(ROWS, _K * _CH)
        ones = jnp.ones((_K * _CH, 1), jnp.float32)
        lo0 = mkey_ref[...]
        hi0 = jnp.max(cand, axis=1, keepdims=True) + 1

        def count_ge(th):
            gef = (cand >= th).astype(jnp.float32)
            return lax.dot_general(gef, ones, (((1,), (0,)), ((), ())),
                                   preferred_element_type=jnp.float32)

        def sbody(_, carry):
            lo, hi = carry
            mid = lo + (hi - lo) // 2
            ge = count_ge(mid) >= _K
            return jnp.where(ge, mid, lo), jnp.where(ge, hi, mid)

        lo, _ = lax.fori_loop(0, 31, sbody, (lo0, hi0))
        vk = _unkey(lo)
        evk = jnp.exp(vk * inv_t)
        ge = cand >= lo
        e = jnp.where(ge, jnp.exp(_unkey(cand) * inv_t), 0.0)
        both = jnp.concatenate([ge.astype(jnp.float32), e], axis=0)
        red = lax.dot_general(both, ones, (((1,), (0,)), ((), ())),
                              preferred_element_type=jnp.float32)
        cnt = red[:ROWS]
        ssum = red[ROWS:]
        sneg = ssum - (cnt - _K) * evk
        spos = spos_ref[...]
        frac = spos / (spos + sneg + _EPS)
        part = jnp.sum(-jnp.log(frac + 1e-6), axis=0, keepdims=True) / B

        @pl.when(i == 0)
        def _o0():
            out_ref[...] = part

        @pl.when(i > 0)
        def _on():
            out_ref[...] = out_ref[...] + part

    return body


def _stage3(cand, mkey, spos, B):
    ROWS = min(32, B)
    return pl.pallas_call(
        _s3_body(ROWS, B),
        grid=(B // ROWS,),
        in_specs=[
            pl.BlockSpec((ROWS, _K, _CH), lambda i: (i, 0, 0)),
            pl.BlockSpec((ROWS, 1), lambda i: (i, 0)),
            pl.BlockSpec((ROWS, 1), lambda i: (i, 0)),
        ],
        out_specs=pl.BlockSpec((1, 1), lambda i: (0, 0)),
        out_shape=jax.ShapeDtypeStruct((1, 1), jnp.float32),
    )(cand, mkey, spos)


def kernel(inputs, inputs_ema, inputs_logits, inputs_logits_ema, features,
           labels, targets, indexes):
    B, D = inputs.shape
    N = features.shape[0]
    NCH = N // _CH

    tgtc = targets.reshape(B, 1)
    tgtr = targets.reshape(1, B)

    keys3, posP, mkey, spos = _stage1(inputs, inputs_ema, tgtc, tgtr,
                                      features, B, D, N)
    cand = _sc_compact_gather(posP, keys3.reshape(NCH * B, _CH), B, NCH)
    out = _stage3(cand, mkey, spos, B)
    return out[0, 0]

# --- scband reference (transcript-rebuilt; emitter-appended) ---
"""Pipeline reference for scband-instance-memory-26826365731330 (READ-ONLY COPY).

The authoritative reference and input builder live on the scoring server;
editing this copy changes nothing except your own understanding.
"""

import jax, jax.numpy as jnp
import numpy as np

B, D, N = 256, 128, 131072
TEMP = 0.05
TOPK_NEG = 256
EPS = 1e-6


def _l2norm(x):
    return x / (jnp.linalg.norm(x, axis=1, keepdims=True) + 1e-12)


def setup_inputs(seed: int = 0) -> dict:
    key = jax.random.key(seed)
    ks = jax.random.split(key, 6)
    inputs = jax.random.normal(ks[0], (B, D), dtype=jnp.float32)
    inputs_ema = jax.random.normal(ks[1], (B, D), dtype=jnp.float32)
    inputs_logits = jax.random.normal(ks[2], (B, D), dtype=jnp.float32)
    inputs_logits_ema = jax.random.normal(ks[3], (B, D), dtype=jnp.float32)
    # memory bank buffer: rows of class c live at [c*16, (c+1)*16)
    features = jax.random.normal(ks[4], (N, D), dtype=jnp.float32)
    features = _l2norm(features)
    labels = jnp.arange(N, dtype=jnp.int32) // 16
    indexes = jax.random.randint(ks[5], (B,), 0, N, dtype=jnp.int32)
    targets = labels[indexes]  # guarantees labels[indexes] == targets assert
    return {
        "inputs": inputs,
        "inputs_ema": inputs_ema,
        "inputs_logits": inputs_logits,
        "inputs_logits_ema": inputs_logits_ema,
        "features": features,
        "labels": labels,
        "targets": targets,
        "indexes": indexes,
    }


def reference(inputs, inputs_ema, inputs_logits, inputs_logits_ema, features, labels, targets, indexes):
    # use_part=False, use_meanteacher=True path; inputs_logits are unpacked but unused.
    inputs = _l2norm(inputs)
    inputs_ema = _l2norm(inputs_ema)
    # hm_ema forward: inputs @ features.T  (gather over full memory bank)
    outputs_ins = inputs @ features.T
    outputs_ins = outputs_ins / TEMP
    outputs_ins = jnp.exp(outputs_ins)
    batch_sim = jnp.exp((inputs @ inputs_ema.T) / TEMP)
    # positive: min batch sim among same-target entries in batch
    pos_mask = targets[:, None] == targets[None, :]
    sim_pos = jnp.min(jnp.where(pos_mask, batch_sim, jnp.inf), axis=1)
    # negatives: mask out own class block [t*16,(t+1)*16) in memory, top-k 256
    col = jnp.arange(N, dtype=jnp.int32)
    block_mask = (col[None, :] >= targets[:, None] * 16) & (col[None, :] < (targets[:, None] + 1) * 16)
    neg = jnp.where(block_mask, 0.0, outputs_ins)
    top_vals, _ = jax.lax.top_k(neg, TOPK_NEG)
    sim_neg = jnp.sum(top_vals, axis=1)
    masked_sim = jnp.stack([sim_pos, sim_neg], axis=1)
    masked_sums = jnp.sum(masked_sim, axis=1, keepdims=True) + EPS
    masked_sim = masked_sim / masked_sums
    # nll_loss with targets all zero == -mean(log prob of column 0)
    ins_loss = -jnp.mean(jnp.log(masked_sim[:, 0] + 1e-6))
    return ins_loss

if __name__ == "__main__":
    import jax
    _d = setup_inputs()
    print(jax.jit(kernel)(*tuple(_d.values())))

</pallas_src>

<mosaic_0001>
#map = affine_map<(d0, d1) -> (0)>
#map1 = affine_map<(d0, d1) -> (0, 0)>
module attributes {stable_mosaic.version = 14 : i64} {
  func.func @sc_k(%arg0: i32, %arg1: i32, %arg2: memref<262144xi32, #tpu.memory_space<hbm>>, %arg3: memref<262144x128xi32, #tpu.memory_space<hbm>>, %arg4: memref<65536x128xi32, #tpu.memory_space<hbm>>, %arg5: memref<1024xi32, #tpu.memory_space<vmem>>, %arg6: memref<128xi32, #tpu.memory_space<vmem>>, %arg7: memref<128xi32, #tpu.memory_space<vmem>>, %arg8: memref<256x128xi32, #tpu.memory_space<vmem>>, %arg9: memref<!tpu.dma_semaphore, #tpu.memory_space<semaphore_mem>>) attributes {dimension_semantics = [#tpu.dimension_semantics<core_parallel>, #tpu.dimension_semantics<subcore_parallel>], iteration_bounds = array<i64: 2, 16>, scalar_prefetch = 0 : i64, scratch_operands = 5 : i64, tpu.core_type = #tpu.core_type<sc_vector_subcore>, window_params = [{transform_indices = #map}, {transform_indices = #map1}, {transform_indices = #map1}]} {
    %mul3A = arith.constant 2 : i32
    %mul3A_0 = arith.muli %arg1, %mul3A : i32
    %add3A = arith.addi %mul3A_0, %arg0 : i32
    %iota3A = tpu.iota {dimensions = array<i32: 0>} : vector<16xi32>
    %mul3A_1 = arith.constant 8 : i32
    %mul3A_2 = arith.muli %add3A, %mul3A_1 : i32
    %add3A_3 = arith.constant 0 : i32
    %add3A_4 = arith.addi %mul3A_2, %add3A_3 : i32
    %mul3A_5 = arith.constant 1024 : i32
    %mul3A_6 = arith.muli %add3A_4, %mul3A_5 : i32
    "tpu.region"() ({
      %run_scoped3A = tpu.sem_alloc : memref<!tpu.dma_semaphore, #tpu.memory_space<semaphore_mem>>
      %dma_start3A_302 = tpu.memref_slice %arg2[%mul3A_6] : memref<262144xi32, #tpu.memory_space<hbm>> -> memref<1024xi32, #tpu.memory_space<hbm>>
      %dma_start3A_303 = tpu.memref_slice %arg2[%mul3A_6] : memref<262144xi32, #tpu.memory_space<hbm>> -> memref<1024xi32, #tpu.memory_space<hbm>>
      tpu.enqueue_dma source(%dma_start3A_303 : memref<1024xi32, #tpu.memory_space<hbm>>) target(%arg5 : memref<1024xi32, #tpu.memory_space<vmem>>) target_semaphore(%run_scoped3A : memref<!tpu.dma_semaphore, #tpu.memory_space<semaphore_mem>>)
      %dma_wait3A_304 = tpu.memref_slice %arg2[%mul3A_6] : memref<262144xi32, #tpu.memory_space<hbm>> -> memref<1024xi32, #tpu.memory_space<hbm>>
      %dma_wait3A_305 = tpu.memref_slice %arg2[%mul3A_6] : memref<262144xi32, #tpu.memory_space<hbm>> -> memref<1024xi32, #tpu.memory_space<hbm>>
      tpu.wait_dma2 semaphore(%run_scoped3A : memref<!tpu.dma_semaphore, #tpu.memory_space<semaphore_mem>>) src(%dma_wait3A_305 : memref<1024xi32, #tpu.memory_space<hbm>>) dst(%arg5 : memref<1024xi32, #tpu.memory_space<vmem>>)
      tpu.yield
    }) : () -> ()
    %scan3A = arith.constant 0 : i32
    %scan3A_7 = arith.constant 0 : i32
    %scan3A_8 = arith.constant 64 : i32
    %scan3A_9 = arith.addi %scan3A_7, %scan3A_8 : i32
    %scan3A_10 = arith.constant 1 : i32
    scf.for %scan3A_302 = %scan3A_7 to %scan3A_9 step %scan3A_10  : i32 {
      %mul3A_303 = arith.constant 16 : i32
      %mul3A_304 = arith.muli %scan3A_302, %mul3A_303 : i32
      %get3A = arith.index_cast %mul3A_304 : i32 to index
      %get3A_305 = tpu.vector_load %arg5[%get3A] {strides = array<i32>} : memref<1024xi32, #tpu.memory_space<vmem>>, vector<16xi32>,
      %mul3A_306 = arith.constant 16 : i32
      %mul3A_307 = arith.muli %scan3A_302, %mul3A_306 : i32
      %add3A_308 = vector.broadcast %mul3A_307 : i32 to vector<16xi32>
      %add3A_309 = arith.addi %iota3A, %add3A_308 : vector<16xi32>
      %mul3A_310 = arith.constant 256 : i32
      %mul3A_311 = vector.broadcast %mul3A_310 : i32 to vector<16xi32>
      %mul3A_312 = arith.muli %add3A_309, %mul3A_311 : vector<16xi32>
      %add3A_313 = vector.broadcast %add3A_4 : i32 to vector<16xi32>
      %add3A_314 = arith.addi %mul3A_312, %add3A_313 : vector<16xi32>
      %lt3A = arith.constant 128 : i32
      %lt3A_315 = vector.broadcast %lt3A : i32 to vector<16xi32>
      %lt3A_316 = arith.cmpi slt, %get3A_305, %lt3A_315 : vector<16xi32>
      %ge3A = arith.constant 128 : i32
      %ge3A_317 = vector.broadcast %ge3A : i32 to vector<16xi32>
      %ge3A_318 = arith.cmpi sge, %get3A_305, %ge3A_317 : vector<16xi32>
      %lt3A_319 = arith.constant 256 : i32
      %lt3A_320 = vector.broadcast %lt3A_319 : i32 to vector<16xi32>
      %lt3A_321 = arith.cmpi slt, %get3A_305, %lt3A_320 : vector<16xi32>
      %and3A = arith.andi %ge3A_318, %lt3A_321 : vector<16xi1>
      tpu.vector_store_idx %arg6[%get3A_305], %add3A_314 masked %lt3A_316 : memref<128xi32, #tpu.memory_space<vmem>>[vector<16xi32>], vector<16xi32>, vector<16xi1>
      %sub3A = arith.constant 128 : i32
      %sub3A_322 = vector.broadcast %sub3A : i32 to vector<16xi32>
      %sub3A_323 = arith.subi %get3A_305, %sub3A_322 : vector<16xi32>
      tpu.vector_store_idx %arg7[%sub3A_323], %add3A_314 masked %and3A : memref<128xi32, #tpu.memory_space<vmem>>[vector<16xi32>], vector<16xi32>, vector<16xi1>
    }
    %scan3A_11 = arith.constant 64 : i32
    %dma_start3A = arith.constant 0 : i32
    %dma_start3A_12 = arith.constant 0 : i32
    %dma_start3A_13 = tpu.memref_slice %arg8[%dma_start3A, %dma_start3A_12] : memref<256x128xi32, #tpu.memory_space<vmem>> -> memref<128x128xi32, #tpu.memory_space<vmem>>
    %dma_start3A_14 = arith.constant 0 : i32
    %dma_start3A_15 = arith.constant 0 : i32
    %dma_start3A_16 = tpu.memref_slice %arg3[%dma_start3A_14, %dma_start3A_15] : memref<262144x128xi32, #tpu.memory_space<hbm>> -> memref<262144x128xi32, #tpu.memory_space<hbm>>
    tpu.enqueue_indirect_dma source(%dma_start3A_16 : memref<262144x128xi32, #tpu.memory_space<hbm>>) target(%dma_start3A_13 : memref<128x128xi32, #tpu.memory_space<vmem>>) offsets(%arg6 : memref<128xi32, #tpu.memory_space<vmem>>) semaphore(%arg9 : memref<!tpu.dma_semaphore, #tpu.memory_space<semaphore_mem>>)
    %dma_wait3A = arith.constant 0 : i32
    %dma_wait3A_17 = arith.constant 0 : i32
    %dma_wait3A_18 = tpu.memref_slice %arg8[%dma_wait3A, %dma_wait3A_17] : memref<256x128xi32, #tpu.memory_space<vmem>> -> memref<128x128xi32, #tpu.memory_space<vmem>>
    %dma_wait3A_19 = arith.constant 0 : i32
    %dma_wait3A_20 = arith.constant 0 : i32
    %dma_wait3A_21 = tpu.memref_slice %arg3[%dma_wait3A_19, %dma_wait3A_20] : memref<262144x128xi32, #tpu.memory_space<hbm>> -> memref<262144x128xi32, #tpu.memory_space<hbm>>
    tpu.wait_indirect_dma semaphore(%arg9 : memref<!tpu.dma_semaphore, #tpu.memory_space<semaphore_mem>>) src(%dma_wait3A_21 : memref<262144x128xi32, #tpu.memory_space<hbm>>) dst(%dma_wait3A_18 : memref<128x128xi32, #tpu.memory_space<vmem>>)
    %dma_start3A_22 = arith.constant 128 : i32
    %dma_start3A_23 = arith.constant 0 : i32
    %dma_start3A_24 = tpu.memref_slice %arg8[%dma_start3A_22, %dma_start3A_23] : memref<256x128xi32, #tpu.memory_space<vmem>> -> memref<128x128xi32, #tpu.memory_space<vmem>>
    %dma_start3A_25 = arith.constant 0 : i32
    %dma_start3A_26 = arith.constant 0 : i32
    %dma_start3A_27 = tpu.memref_slice %arg3[%dma_start3A_25, %dma_start3A_26] : memref<262144x128xi32, #tpu.memory_space<hbm>> -> memref<262144x128xi32, #tpu.memory_space<hbm>>
    tpu.enqueue_indirect_dma source(%dma_start3A_27 : memref<262144x128xi32, #tpu.memory_space<hbm>>) target(%dma_start3A_24 : memref<128x128xi32, #tpu.memory_space<vmem>>) offsets(%arg7 : memref<128xi32, #tpu.memory_space<vmem>>) semaphore(%arg9 : memref<!tpu.dma_semaphore, #tpu.memory_space<semaphore_mem>>)
    %dma_wait3A_28 = arith.constant 128 : i32
    %dma_wait3A_29 = arith.constant 0 : i32
    %dma_wait3A_30 = tpu.memref_slice %arg8[%dma_wait3A_28, %dma_wait3A_29] : memref<256x128xi32, #tpu.memory_space<vmem>> -> memref<128x128xi32, #tpu.memory_space<vmem>>
    %dma_wait3A_31 = arith.constant 0 : i32
    %dma_wait3A_32 = arith.constant 0 : i32
    %dma_wait3A_33 = tpu.memref_slice %arg3[%dma_wait3A_31, %dma_wait3A_32] : memref<262144x128xi32, #tpu.memory_space<hbm>> -> memref<262144x128xi32, #tpu.memory_space<hbm>>
    tpu.wait_indirect_dma semaphore(%arg9 : memref<!tpu.dma_semaphore, #tpu.memory_space<semaphore_mem>>) src(%dma_wait3A_33 : memref<262144x128xi32, #tpu.memory_space<hbm>>) dst(%dma_wait3A_30 : memref<128x128xi32, #tpu.memory_space<vmem>>)
    %mul3A_34 = arith.constant 256 : i32
    %mul3A_35 = arith.muli %add3A_4, %mul3A_34 : i32
    "tpu.region"() ({
      %run_scoped3A = tpu.sem_alloc : memref<!tpu.dma_semaphore, #tpu.memory_space<semaphore_mem>>
      %dma_start3A_302 = arith.constant 0 : i32
      %dma_start3A_303 = tpu.memref_slice %arg4[%mul3A_35, %dma_start3A_302] : memref<65536x128xi32, #tpu.memory_space<hbm>> -> memref<256x128xi32, #tpu.memory_space<hbm>>
      %dma_start3A_304 = arith.constant 0 : i32
      %dma_start3A_305 = tpu.memref_slice %arg4[%mul3A_35, %dma_start3A_304] : memref<65536x128xi32, #tpu.memory_space<hbm>> -> memref<256x128xi32, #tpu.memory_space<hbm>>
      tpu.enqueue_dma source(%arg8 : memref<256x128xi32, #tpu.memory_space<vmem>>) target(%dma_start3A_305 : memref<256x128xi32, #tpu.memory_space<hbm>>) target_semaphore(%run_scoped3A : memref<!tpu.dma_semaphore, #tpu.memory_space<semaphore_mem>>)
      %dma_wait3A_306 = arith.constant 0 : i32
      %dma_wait3A_307 = tpu.memref_slice %arg4[%mul3A_35, %dma_wait3A_306] : memref<65536x128xi32, #tpu.memory_space<hbm>> -> memref<256x128xi32, #tpu.memory_space<hbm>>
      %dma_wait3A_308 = arith.constant 0 : i32
      %dma_wait3A_309 = tpu.memref_slice %arg4[%mul3A_35, %dma_wait3A_308] : memref<65536x128xi32, #tpu.memory_space<hbm>> -> memref<256x128xi32, #tpu.memory_space<hbm>>
      tpu.wait_dma2 semaphore(%run_scoped3A : memref<!tpu.dma_semaphore, #tpu.memory_space<semaphore_mem>>) src(%arg8 : memref<256x128xi32, #tpu.memory_space<vmem>>) dst(%dma_wait3A_309 : memref<256x128xi32, #tpu.memory_space<hbm>>)
      tpu.yield
    }) : () -> ()
    %mul3A_36 = arith.constant 8 : i32
    %mul3A_37 = arith.muli %add3A, %mul3A_36 : i32
    %add3A_38 = arith.constant 1 : i32
    %add3A_39 = arith.addi %mul3A_37, %add3A_38 : i32
    %mul3A_40 = arith.constant 1024 : i32
    %mul3A_41 = arith.muli %add3A_39, %mul3A_40 : i32
    "tpu.region"() ({
      %run_scoped3A = tpu.sem_alloc : memref<!tpu.dma_semaphore, #tpu.memory_space<semaphore_mem>>
      %dma_start3A_302 = tpu.memref_slice %arg2[%mul3A_41] : memref<262144xi32, #tpu.memory_space<hbm>> -> memref<1024xi32, #tpu.memory_space<hbm>>
      %dma_start3A_303 = tpu.memref_slice %arg2[%mul3A_41] : memref<262144xi32, #tpu.memory_space<hbm>> -> memref<1024xi32, #tpu.memory_space<hbm>>
      tpu.enqueue_dma source(%dma_start3A_303 : memref<1024xi32, #tpu.memory_space<hbm>>) target(%arg5 : memref<1024xi32, #tpu.memory_space<vmem>>) target_semaphore(%run_scoped3A : memref<!tpu.dma_semaphore, #tpu.memory_space<semaphore_mem>>)
      %dma_wait3A_304 = tpu.memref_slice %arg2[%mul3A_41] : memref<262144xi32, #tpu.memory_space<hbm>> -> memref<1024xi32, #tpu.memory_space<hbm>>
      %dma_wait3A_305 = tpu.memref_slice %arg2[%mul3A_41] : memref<262144xi32, #tpu.memory_space<hbm>> -> memref<1024xi32, #tpu.memory_space<hbm>>
      tpu.wait_dma2 semaphore(%run_scoped3A : memref<!tpu.dma_semaphore, #tpu.memory_space<semaphore_mem>>) src(%dma_wait3A_305 : memref<1024xi32, #tpu.memory_space<hbm>>) dst(%arg5 : memref<1024xi32, #tpu.memory_space<vmem>>)
      tpu.yield
    }) : () -> ()
    %scan3A_42 = arith.constant 0 : i32
    %scan3A_43 = arith.constant 0 : i32
    %scan3A_44 = arith.constant 64 : i32
    %scan3A_45 = arith.addi %scan3A_43, %scan3A_44 : i32
    %scan3A_46 = arith.constant 1 : i32
    scf.for %scan3A_302 = %scan3A_43 to %scan3A_45 step %scan3A_46  : i32 {
      %mul3A_303 = arith.constant 16 : i32
      %mul3A_304 = arith.muli %scan3A_302, %mul3A_303 : i32
      %get3A = arith.index_cast %mul3A_304 : i32 to index
      %get3A_305 = tpu.vector_load %arg5[%get3A] {strides = array<i32>} : memref<1024xi32, #tpu.memory_space<vmem>>, vector<16xi32>,
      %mul3A_306 = arith.constant 16 : i32
      %mul3A_307 = arith.muli %scan3A_302, %mul3A_306 : i32
      %add3A_308 = vector.broadcast %mul3A_307 : i32 to vector<16xi32>
      %add3A_309 = arith.addi %iota3A, %add3A_308 : vector<16xi32>
      %mul3A_310 = arith.constant 256 : i32
      %mul3A_311 = vector.broadcast %mul3A_310 : i32 to vector<16xi32>
      %mul3A_312 = arith.muli %add3A_309, %mul3A_311 : vector<16xi32>
      %add3A_313 = vector.broadcast %add3A_39 : i32 to vector<16xi32>
      %add3A_314 = arith.addi %mul3A_312, %add3A_313 : vector<16xi32>
      %lt3A = arith.constant 128 : i32
      %lt3A_315 = vector.broadcast %lt3A : i32 to vector<16xi32>
      %lt3A_316 = arith.cmpi slt, %get3A_305, %lt3A_315 : vector<16xi32>
      %ge3A = arith.constant 128 : i32
      %ge3A_317 = vector.broadcast %ge3A : i32 to vector<16xi32>
      %ge3A_318 = arith.cmpi sge, %get3A_305, %ge3A_317 : vector<16xi32>
      %lt3A_319 = arith.constant 256 : i32
      %lt3A_320 = vector.broadcast %lt3A_319 : i32 to vector<16xi32>
      %lt3A_321 = arith.cmpi slt, %get3A_305, %lt3A_320 : vector<16xi32>
      %and3A = arith.andi %ge3A_318, %lt3A_321 : vector<16xi1>
      tpu.vector_store_idx %arg6[%get3A_305], %add3A_314 masked %lt3A_316 : memref<128xi32, #tpu.memory_space<vmem>>[vector<16xi32>], vector<16xi32>, vector<16xi1>
      %sub3A = arith.constant 128 : i32
      %sub3A_322 = vector.broadcast %sub3A : i32 to vector<16xi32>
      %sub3A_323 = arith.subi %get3A_305, %sub3A_322 : vector<16xi32>
      tpu.vector_store_idx %arg7[%sub3A_323], %add3A_314 masked %and3A : memref<128xi32, #tpu.memory_space<vmem>>[vector<16xi32>], vector<16xi32>, vector<16xi1>
    }
    %scan3A_47 = arith.constant 64 : i32
    %dma_start3A_48 = arith.constant 0 : i32
    %dma_start3A_49 = arith.constant 0 : i32
    %dma_start3A_50 = tpu.memref_slice %arg8[%dma_start3A_48, %dma_start3A_49] : memref<256x128xi32, #tpu.memory_space<vmem>> -> memref<128x128xi32, #tpu.memory_space<vmem>>
    %dma_start3A_51 = arith.constant 0 : i32
    %dma_start3A_52 = arith.constant 0 : i32
    %dma_start3A_53 = tpu.memref_slice %arg3[%dma_start3A_51, %dma_start3A_52] : memref<262144x128xi32, #tpu.memory_space<hbm>> -> memref<262144x128xi32, #tpu.memory_space<hbm>>
    tpu.enqueue_indirect_dma source(%dma_start3A_53 : memref<262144x128xi32, #tpu.memory_space<hbm>>) target(%dma_start3A_50 : memref<128x128xi32, #tpu.memory_space<vmem>>) offsets(%arg6 : memref<128xi32, #tpu.memory_space<vmem>>) semaphore(%arg9 : memref<!tpu.dma_semaphore, #tpu.memory_space<semaphore_mem>>)
    %dma_wait3A_54 = arith.constant 0 : i32
    %dma_wait3A_55 = arith.constant 0 : i32
    %dma_wait3A_56 = tpu.memref_slice %arg8[%dma_wait3A_54, %dma_wait3A_55] : memref<256x128xi32, #tpu.memory_space<vmem>> -> memref<128x128xi32, #tpu.memory_space<vmem>>
    %dma_wait3A_57 = arith.constant 0 : i32
    %dma_wait3A_58 = arith.constant 0 : i32
    %dma_wait3A_59 = tpu.memref_slice %arg3[%dma_wait3A_57, %dma_wait3A_58] : memref<262144x128xi32, #tpu.memory_space<hbm>> -> memref<262144x128xi32, #tpu.memory_space<hbm>>
    tpu.wait_indirect_dma semaphore(%arg9 : memref<!tpu.dma_semaphore, #tpu.memory_space<semaphore_mem>>) src(%dma_wait3A_59 : memref<262144x128xi32, #tpu.memory_space<hbm>>) dst(%dma_wait3A_56 : memref<128x128xi32, #tpu.memory_space<vmem>>)
    %dma_start3A_60 = arith.constant 128 : i32
    %dma_start3A_61 = arith.constant 0 : i32
    %dma_start3A_62 = tpu.memref_slice %arg8[%dma_start3A_60, %dma_start3A_61] : memref<256x128xi32, #tpu.memory_space<vmem>> -> memref<128x128xi32, #tpu.memory_space<vmem>>
    %dma_start3A_63 = arith.constant 0 : i32
    %dma_start3A_64 = arith.constant 0 : i32
    %dma_start3A_65 = tpu.memref_slice %arg3[%dma_start3A_63, %dma_start3A_64] : memref<262144x128xi32, #tpu.memory_space<hbm>> -> memref<262144x128xi32, #tpu.memory_space<hbm>>
    tpu.enqueue_indirect_dma source(%dma_start3A_65 : memref<262144x128xi32, #tpu.memory_space<hbm>>) target(%dma_start3A_62 : memref<128x128xi32, #tpu.memory_space<vmem>>) offsets(%arg7 : memref<128xi32, #tpu.memory_space<vmem>>) semaphore(%arg9 : memref<!tpu.dma_semaphore, #tpu.memory_space<semaphore_mem>>)
    %dma_wait3A_66 = arith.constant 128 : i32
    %dma_wait3A_67 = arith.constant 0 : i32
    %dma_wait3A_68 = tpu.memref_slice %arg8[%dma_wait3A_66, %dma_wait3A_67] : memref<256x128xi32, #tpu.memory_space<vmem>> -> memref<128x128xi32, #tpu.memory_space<vmem>>
    %dma_wait3A_69 = arith.constant 0 : i32
    %dma_wait3A_70 = arith.constant 0 : i32
    %dma_wait3A_71 = tpu.memref_slice %arg3[%dma_wait3A_69, %dma_wait3A_70] : memref<262144x128xi32, #tpu.memory_space<hbm>> -> memref<262144x128xi32, #tpu.memory_space<hbm>>
    tpu.wait_indirect_dma semaphore(%arg9 : memref<!tpu.dma_semaphore, #tpu.memory_space<semaphore_mem>>) src(%dma_wait3A_71 : memref<262144x128xi32, #tpu.memory_space<hbm>>) dst(%dma_wait3A_68 : memref<128x128xi32, #tpu.memory_space<vmem>>)
    %mul3A_72 = arith.constant 256 : i32
    %mul3A_73 = arith.muli %add3A_39, %mul3A_72 : i32
    "tpu.region"() ({
      %run_scoped3A = tpu.sem_alloc : memref<!tpu.dma_semaphore, #tpu.memory_space<semaphore_mem>>
      %dma_start3A_302 = arith.constant 0 : i32
      %dma_start3A_303 = tpu.memref_slice %arg4[%mul3A_73, %dma_start3A_302] : memref<65536x128xi32, #tpu.memory_space<hbm>> -> memref<256x128xi32, #tpu.memory_space<hbm>>
      %dma_start3A_304 = arith.constant 0 : i32
      %dma_start3A_305 = tpu.memref_slice %arg4[%mul3A_73, %dma_start3A_304] : memref<65536x128xi32, #tpu.memory_space<hbm>> -> memref<256x128xi32, #tpu.memory_space<hbm>>
      tpu.enqueue_dma source(%arg8 : memref<256x128xi32, #tpu.memory_space<vmem>>) target(%dma_start3A_305 : memref<256x128xi32, #tpu.memory_space<hbm>>) target_semaphore(%run_scoped3A : memref<!tpu.dma_semaphore, #tpu.memory_space<semaphore_mem>>)
      %dma_wait3A_306 = arith.constant 0 : i32
      %dma_wait3A_307 = tpu.memref_slice %arg4[%mul3A_73, %dma_wait3A_306] : memref<65536x128xi32, #tpu.memory_space<hbm>> -> memref<256x128xi32, #tpu.memory_space<hbm>>
      %dma_wait3A_308 = arith.constant 0 : i32
      %dma_wait3A_309 = tpu.memref_slice %arg4[%mul3A_73, %dma_wait3A_308] : memref<65536x128xi32, #tpu.memory_space<hbm>> -> memref<256x128xi32, #tpu.memory_space<hbm>>
      tpu.wait_dma2 semaphore(%run_scoped3A : memref<!tpu.dma_semaphore, #tpu.memory_space<semaphore_mem>>) src(%arg8 : memref<256x128xi32, #tpu.memory_space<vmem>>) dst(%dma_wait3A_309 : memref<256x128xi32, #tpu.memory_space<hbm>>)
      tpu.yield
    }) : () -> ()
    %mul3A_74 = arith.constant 8 : i32
    %mul3A_75 = arith.muli %add3A, %mul3A_74 : i32
    %add3A_76 = arith.constant 2 : i32
    %add3A_77 = arith.addi %mul3A_75, %add3A_76 : i32
    %mul3A_78 = arith.constant 1024 : i32
    %mul3A_79 = arith.muli %add3A_77, %mul3A_78 : i32
    "tpu.region"() ({
      %run_scoped3A = tpu.sem_alloc : memref<!tpu.dma_semaphore, #tpu.memory_space<semaphore_mem>>
      %dma_start3A_302 = tpu.memref_slice %arg2[%mul3A_79] : memref<262144xi32, #tpu.memory_space<hbm>> -> memref<1024xi32, #tpu.memory_space<hbm>>
      %dma_start3A_303 = tpu.memref_slice %arg2[%mul3A_79] : memref<262144xi32, #tpu.memory_space<hbm>> -> memref<1024xi32, #tpu.memory_space<hbm>>
      tpu.enqueue_dma source(%dma_start3A_303 : memref<1024xi32, #tpu.memory_space<hbm>>) target(%arg5 : memref<1024xi32, #tpu.memory_space<vmem>>) target_semaphore(%run_scoped3A : memref<!tpu.dma_semaphore, #tpu.memory_space<semaphore_mem>>)
      %dma_wait3A_304 = tpu.memref_slice %arg2[%mul3A_79] : memref<262144xi32, #tpu.memory_space<hbm>> -> memref<1024xi32, #tpu.memory_space<hbm>>
      %dma_wait3A_305 = tpu.memref_slice %arg2[%mul3A_79] : memref<262144xi32, #tpu.memory_space<hbm>> -> memref<1024xi32, #tpu.memory_space<hbm>>
      tpu.wait_dma2 semaphore(%run_scoped3A : memref<!tpu.dma_semaphore, #tpu.memory_space<semaphore_mem>>) src(%dma_wait3A_305 : memref<1024xi32, #tpu.memory_space<hbm>>) dst(%arg5 : memref<1024xi32, #tpu.memory_space<vmem>>)
      tpu.yield
    }) : () -> ()
    %scan3A_80 = arith.constant 0 : i32
    %scan3A_81 = arith.constant 0 : i32
    %scan3A_82 = arith.constant 64 : i32
    %scan3A_83 = arith.addi %scan3A_81, %scan3A_82 : i32
    %scan3A_84 = arith.constant 1 : i32
    scf.for %scan3A_302 = %scan3A_81 to %scan3A_83 step %scan3A_84  : i32 {
      %mul3A_303 = arith.constant 16 : i32
      %mul3A_304 = arith.muli %scan3A_302, %mul3A_303 : i32
      %get3A = arith.index_cast %mul3A_304 : i32 to index
      %get3A_305 = tpu.vector_load %arg5[%get3A] {strides = array<i32>} : memref<1024xi32, #tpu.memory_space<vmem>>, vector<16xi32>,
      %mul3A_306 = arith.constant 16 : i32
      %mul3A_307 = arith.muli %scan3A_302, %mul3A_306 : i32
      %add3A_308 = vector.broadcast %mul3A_307 : i32 to vector<16xi32>
      %add3A_309 = arith.addi %iota3A, %add3A_308 : vector<16xi32>
      %mul3A_310 = arith.constant 256 : i32
      %mul3A_311 = vector.broadcast %mul3A_310 : i32 to vector<16xi32>
      %mul3A_312 = arith.muli %add3A_309, %mul3A_311 : vector<16xi32>
      %add3A_313 = vector.broadcast %add3A_77 : i32 to vector<16xi32>
      %add3A_314 = arith.addi %mul3A_312, %add3A_313 : vector<16xi32>
      %lt3A = arith.constant 128 : i32
      %lt3A_315 = vector.broadcast %lt3A : i32 to vector<16xi32>
      %lt3A_316 = arith.cmpi slt, %get3A_305, %lt3A_315 : vector<16xi32>
      %ge3A = arith.constant 128 : i32
      %ge3A_317 = vector.broadcast %ge3A : i32 to vector<16xi32>
      %ge3A_318 = arith.cmpi sge, %get3A_305, %ge3A_317 : vector<16xi32>
      %lt3A_319 = arith.constant 256 : i32
      %lt3A_320 = vector.broadcast %lt3A_319 : i32 to vector<16xi32>
      %lt3A_321 = arith.cmpi slt, %get3A_305, %lt3A_320 : vector<16xi32>
      %and3A = arith.andi %ge3A_318, %lt3A_321 : vector<16xi1>
      tpu.vector_store_idx %arg6[%get3A_305], %add3A_314 masked %lt3A_316 : memref<128xi32, #tpu.memory_space<vmem>>[vector<16xi32>], vector<16xi32>, vector<16xi1>
      %sub3A = arith.constant 128 : i32
      %sub3A_322 = vector.broadcast %sub3A : i32 to vector<16xi32>
      %sub3A_323 = arith.subi %get3A_305, %sub3A_322 : vector<16xi32>
      tpu.vector_store_idx %arg7[%sub3A_323], %add3A_314 masked %and3A : memref<128xi32, #tpu.memory_space<vmem>>[vector<16xi32>], vector<16xi32>, vector<16xi1>
    }
    %scan3A_85 = arith.constant 64 : i32
    %dma_start3A_86 = arith.constant 0 : i32
    %dma_start3A_87 = arith.constant 0 : i32
    %dma_start3A_88 = tpu.memref_slice %arg8[%dma_start3A_86, %dma_start3A_87] : memref<256x128xi32, #tpu.memory_space<vmem>> -> memref<128x128xi32, #tpu.memory_space<vmem>>
    %dma_start3A_89 = arith.constant 0 : i32
    %dma_start3A_90 = arith.constant 0 : i32
    %dma_start3A_91 = tpu.memref_slice %arg3[%dma_start3A_89, %dma_start3A_90] : memref<262144x128xi32, #tpu.memory_space<hbm>> -> memref<262144x128xi32, #tpu.memory_space<hbm>>
    tpu.enqueue_indirect_dma source(%dma_start3A_91 : memref<262144x128xi32, #tpu.memory_space<hbm>>) target(%dma_start3A_88 : memref<128x128xi32, #tpu.memory_space<vmem>>) offsets(%arg6 : memref<128xi32, #tpu.memory_space<vmem>>) semaphore(%arg9 : memref<!tpu.dma_semaphore, #tpu.memory_space<semaphore_mem>>)
    %dma_wait3A_92 = arith.constant 0 : i32
    %dma_wait3A_93 = arith.constant 0 : i32
    %dma_wait3A_94 = tpu.memref_slice %arg8[%dma_wait3A_92, %dma_wait3A_93] : memref<256x128xi32, #tpu.memory_space<vmem>> -> memref<128x128xi32, #tpu.memory_space<vmem>>
    %dma_wait3A_95 = arith.constant 0 : i32
    %dma_wait3A_96 = arith.constant 0 : i32
    %dma_wait3A_97 = tpu.memref_slice %arg3[%dma_wait3A_95, %dma_wait3A_96] : memref<262144x128xi32, #tpu.memory_space<hbm>> -> memref<262144x128xi32, #tpu.memory_space<hbm>>
    tpu.wait_indirect_dma semaphore(%arg9 : memref<!tpu.dma_semaphore, #tpu.memory_space<semaphore_mem>>) src(%dma_wait3A_97 : memref<262144x128xi32, #tpu.memory_space<hbm>>) dst(%dma_wait3A_94 : memref<128x128xi32, #tpu.memory_space<vmem>>)
    %dma_start3A_98 = arith.constant 128 : i32
    %dma_start3A_99 = arith.constant 0 : i32
    %dma_start3A_100 = tpu.memref_slice %arg8[%dma_start3A_98, %dma_start3A_99] : memref<256x128xi32, #tpu.memory_space<vmem>> -> memref<128x128xi32, #tpu.memory_space<vmem>>
    %dma_start3A_101 = arith.constant 0 : i32
    %dma_start3A_102 = arith.constant 0 : i32
    %dma_start3A_103 = tpu.memref_slice %arg3[%dma_start3A_101, %dma_start3A_102] : memref<262144x128xi32, #tpu.memory_space<hbm>> -> memref<262144x128xi32, #tpu.memory_space<hbm>>
    tpu.enqueue_indirect_dma source(%dma_start3A_103 : memref<262144x128xi32, #tpu.memory_space<hbm>>) target(%dma_start3A_100 : memref<128x128xi32, #tpu.memory_space<vmem>>) offsets(%arg7 : memref<128xi32, #tpu.memory_space<vmem>>) semaphore(%arg9 : memref<!tpu.dma_semaphore, #tpu.memory_space<semaphore_mem>>)
    %dma_wait3A_104 = arith.constant 128 : i32
    %dma_wait3A_105 = arith.constant 0 : i32
    %dma_wait3A_106 = tpu.memref_slice %arg8[%dma_wait3A_104, %dma_wait3A_105] : memref<256x128xi32, #tpu.memory_space<vmem>> -> memref<128x128xi32, #tpu.memory_space<vmem>>
    %dma_wait3A_107 = arith.constant 0 : i32
    %dma_wait3A_108 = arith.constant 0 : i32
    %dma_wait3A_109 = tpu.memref_slice %arg3[%dma_wait3A_107, %dma_wait3A_108] : memref<262144x128xi32, #tpu.memory_space<hbm>> -> memref<262144x128xi32, #tpu.memory_space<hbm>>
    tpu.wait_indirect_dma semaphore(%arg9 : memref<!tpu.dma_semaphore, #tpu.memory_space<semaphore_mem>>) src(%dma_wait3A_109 : memref<262144x128xi32, #tpu.memory_space<hbm>>) dst(%dma_wait3A_106 : memref<128x128xi32, #tpu.memory_space<vmem>>)
    %mul3A_110 = arith.constant 256 : i32
    %mul3A_111 = arith.muli %add3A_77, %mul3A_110 : i32
    "tpu.region"() ({
      %run_scoped3A = tpu.sem_alloc : memref<!tpu.dma_semaphore, #tpu.memory_space<semaphore_mem>>
      %dma_start3A_302 = arith.constant 0 : i32
      %dma_start3A_303 = tpu.memref_slice %arg4[%mul3A_111, %dma_start3A_302] : memref<65536x128xi32, #tpu.memory_space<hbm>> -> memref<256x128xi32, #tpu.memory_space<hbm>>
      %dma_start3A_304 = arith.constant 0 : i32
      %dma_start3A_305 = tpu.memref_slice %arg4[%mul3A_111, %dma_start3A_304] : memref<65536x128xi32, #tpu.memory_space<hbm>> -> memref<256x128xi32, #tpu.memory_space<hbm>>
      tpu.enqueue_dma source(%arg8 : memref<256x128xi32, #tpu.memory_space<vmem>>) target(%dma_start3A_305 : memref<256x128xi32, #tpu.memory_space<hbm>>) target_semaphore(%run_scoped3A : memref<!tpu.dma_semaphore, #tpu.memory_space<semaphore_mem>>)
      %dma_wait3A_306 = arith.constant 0 : i32
      %dma_wait3A_307 = tpu.memref_slice %arg4[%mul3A_111, %dma_wait3A_306] : memref<65536x128xi32, #tpu.memory_space<hbm>> -> memref<256x128xi32, #tpu.memory_space<hbm>>
      %dma_wait3A_308 = arith.constant 0 : i32
      %dma_wait3A_309 = tpu.memref_slice %arg4[%mul3A_111, %dma_wait3A_308] : memref<65536x128xi32, #tpu.memory_space<hbm>> -> memref<256x128xi32, #tpu.memory_space<hbm>>
      tpu.wait_dma2 semaphore(%run_scoped3A : memref<!tpu.dma_semaphore, #tpu.memory_space<semaphore_mem>>) src(%arg8 : memref<256x128xi32, #tpu.memory_space<vmem>>) dst(%dma_wait3A_309 : memref<256x128xi32, #tpu.memory_space<hbm>>)
      tpu.yield
    }) : () -> ()
    %mul3A_112 = arith.constant 8 : i32
    %mul3A_113 = arith.muli %add3A, %mul3A_112 : i32
    %add3A_114 = arith.constant 3 : i32
    %add3A_115 = arith.addi %mul3A_113, %add3A_114 : i32
    %mul3A_116 = arith.constant 1024 : i32
    %mul3A_117 = arith.muli %add3A_115, %mul3A_116 : i32
    "tpu.region"() ({
      %run_scoped3A = tpu.sem_alloc : memref<!tpu.dma_semaphore, #tpu.memory_space<semaphore_mem>>
      %dma_start3A_302 = tpu.memref_slice %arg2[%mul3A_117] : memref<262144xi32, #tpu.memory_space<hbm>> -> memref<1024xi32, #tpu.memory_space<hbm>>
      %dma_start3A_303 = tpu.memref_slice %arg2[%mul3A_117] : memref<262144xi32, #tpu.memory_space<hbm>> -> memref<1024xi32, #tpu.memory_space<hbm>>
      tpu.enqueue_dma source(%dma_start3A_303 : memref<1024xi32, #tpu.memory_space<hbm>>) target(%arg5 : memref<1024xi32, #tpu.memory_space<vmem>>) target_semaphore(%run_scoped3A : memref<!tpu.dma_semaphore, #tpu.memory_space<semaphore_mem>>)
      %dma_wait3A_304 = tpu.memref_slice %arg2[%mul3A_117] : memref<262144xi32, #tpu.memory_space<hbm>> -> memref<1024xi32, #tpu.memory_space<hbm>>
      %dma_wait3A_305 = tpu.memref_slice %arg2[%mul3A_117] : memref<262144xi32, #tpu.memory_space<hbm>> -> memref<1024xi32, #tpu.memory_space<hbm>>
      tpu.wait_dma2 semaphore(%run_scoped3A : memref<!tpu.dma_semaphore, #tpu.memory_space<semaphore_mem>>) src(%dma_wait3A_305 : memref<1024xi32, #tpu.memory_space<hbm>>) dst(%arg5 : memref<1024xi32, #tpu.memory_space<vmem>>)
      tpu.yield
    }) : () -> ()
    %scan3A_118 = arith.constant 0 : i32
    %scan3A_119 = arith.constant 0 : i32
    %scan3A_120 = arith.constant 64 : i32
    %scan3A_121 = arith.addi %scan3A_119, %scan3A_120 : i32
    %scan3A_122 = arith.constant 1 : i32
    scf.for %scan3A_302 = %scan3A_119 to %scan3A_121 step %scan3A_122  : i32 {
      %mul3A_303 = arith.constant 16 : i32
      %mul3A_304 = arith.muli %scan3A_302, %mul3A_303 : i32
      %get3A = arith.index_cast %mul3A_304 : i32 to index
      %get3A_305 = tpu.vector_load %arg5[%get3A] {strides = array<i32>} : memref<1024xi32, #tpu.memory_space<vmem>>, vector<16xi32>,
      %mul3A_306 = arith.constant 16 : i32
      %mul3A_307 = arith.muli %scan3A_302, %mul3A_306 : i32
      %add3A_308 = vector.broadcast %mul3A_307 : i32 to vector<16xi32>
      %add3A_309 = arith.addi %iota3A, %add3A_308 : vector<16xi32>
      %mul3A_310 = arith.constant 256 : i32
      %mul3A_311 = vector.broadcast %mul3A_310 : i32 to vector<16xi32>
      %mul3A_312 = arith.muli %add3A_309, %mul3A_311 : vector<16xi32>
      %add3A_313 = vector.broadcast %add3A_115 : i32 to vector<16xi32>
      %add3A_314 = arith.addi %mul3A_312, %add3A_313 : vector<16xi32>
      %lt3A = arith.constant 128 : i32
      %lt3A_315 = vector.broadcast %lt3A : i32 to vector<16xi32>
      %lt3A_316 = arith.cmpi slt, %get3A_305, %lt3A_315 : vector<16xi32>
      %ge3A = arith.constant 128 : i32
      %ge3A_317 = vector.broadcast %ge3A : i32 to vector<16xi32>
      %ge3A_318 = arith.cmpi sge, %get3A_305, %ge3A_317 : vector<16xi32>
      %lt3A_319 = arith.constant 256 : i32
      %lt3A_320 = vector.broadcast %lt3A_319 : i32 to vector<16xi32>
      %lt3A_321 = arith.cmpi slt, %get3A_305, %lt3A_320 : vector<16xi32>
      %and3A = arith.andi %ge3A_318, %lt3A_321 : vector<16xi1>
      tpu.vector_store_idx %arg6[%get3A_305], %add3A_314 masked %lt3A_316 : memref<128xi32, #tpu.memory_space<vmem>>[vector<16xi32>], vector<16xi32>, vector<16xi1>
      %sub3A = arith.constant 128 : i32
      %sub3A_322 = vector.broadcast %sub3A : i32 to vector<16xi32>
      %sub3A_323 = arith.subi %get3A_305, %sub3A_322 : vector<16xi32>
      tpu.vector_store_idx %arg7[%sub3A_323], %add3A_314 masked %and3A : memref<128xi32, #tpu.memory_space<vmem>>[vector<16xi32>], vector<16xi32>, vector<16xi1>
    }
    %scan3A_123 = arith.constant 64 : i32
    %dma_start3A_124 = arith.constant 0 : i32
    %dma_start3A_125 = arith.constant 0 : i32
    %dma_start3A_126 = tpu.memref_slice %arg8[%dma_start3A_124, %dma_start3A_125] : memref<256x128xi32, #tpu.memory_space<vmem>> -> memref<128x128xi32, #tpu.memory_space<vmem>>
    %dma_start3A_127 = arith.constant 0 : i32
    %dma_start3A_128 = arith.constant 0 : i32
    %dma_start3A_129 = tpu.memref_slice %arg3[%dma_start3A_127, %dma_start3A_128] : memref<262144x128xi32, #tpu.memory_space<hbm>> -> memref<262144x128xi32, #tpu.memory_space<hbm>>
    tpu.enqueue_indirect_dma source(%dma_start3A_129 : memref<262144x128xi32, #tpu.memory_space<hbm>>) target(%dma_start3A_126 : memref<128x128xi32, #tpu.memory_space<vmem>>) offsets(%arg6 : memref<128xi32, #tpu.memory_space<vmem>>) semaphore(%arg9 : memref<!tpu.dma_semaphore, #tpu.memory_space<semaphore_mem>>)
    %dma_wait3A_130 = arith.constant 0 : i32
    %dma_wait3A_131 = arith.constant 0 : i32
    %dma_wait3A_132 = tpu.memref_slice %arg8[%dma_wait3A_130, %dma_wait3A_131] : memref<256x128xi32, #tpu.memory_space<vmem>> -> memref<128x128xi32, #tpu.memory_space<vmem>>
    %dma_wait3A_133 = arith.constant 0 : i32
    %dma_wait3A_134 = arith.constant 0 : i32
    %dma_wait3A_135 = tpu.memref_slice %arg3[%dma_wait3A_133, %dma_wait3A_134] : memref<262144x128xi32, #tpu.memory_space<hbm>> -> memref<262144x128xi32, #tpu.memory_space<hbm>>
    tpu.wait_indirect_dma semaphore(%arg9 : memref<!tpu.dma_semaphore, #tpu.memory_space<semaphore_mem>>) src(%dma_wait3A_135 : memref<262144x128xi32, #tpu.memory_space<hbm>>) dst(%dma_wait3A_132 : memref<128x128xi32, #tpu.memory_space<vmem>>)
    %dma_start3A_136 = arith.constant 128 : i32
    %dma_start3A_137 = arith.constant 0 : i32
    %dma_start3A_138 = tpu.memref_slice %arg8[%dma_start3A_136, %dma_start3A_137] : memref<256x128xi32, #tpu.memory_space<vmem>> -> memref<128x128xi32, #tpu.memory_space<vmem>>
    %dma_start3A_139 = arith.constant 0 : i32
    %dma_start3A_140 = arith.constant 0 : i32
    %dma_start3A_141 = tpu.memref_slice %arg3[%dma_start3A_139, %dma_start3A_140] : memref<262144x128xi32, #tpu.memory_space<hbm>> -> memref<262144x128xi32, #tpu.memory_space<hbm>>
    tpu.enqueue_indirect_dma source(%dma_start3A_141 : memref<262144x128xi32, #tpu.memory_space<hbm>>) target(%dma_start3A_138 : memref<128x128xi32, #tpu.memory_space<vmem>>) offsets(%arg7 : memref<128xi32, #tpu.memory_space<vmem>>) semaphore(%arg9 : memref<!tpu.dma_semaphore, #tpu.memory_space<semaphore_mem>>)
    %dma_wait3A_142 = arith.constant 128 : i32
    %dma_wait3A_143 = arith.constant 0 : i32
    %dma_wait3A_144 = tpu.memref_slice %arg8[%dma_wait3A_142, %dma_wait3A_143] : memref<256x128xi32, #tpu.memory_space<vmem>> -> memref<128x128xi32, #tpu.memory_space<vmem>>
    %dma_wait3A_145 = arith.constant 0 : i32
    %dma_wait3A_146 = arith.constant 0 : i32
    %dma_wait3A_147 = tpu.memref_slice %arg3[%dma_wait3A_145, %dma_wait3A_146] : memref<262144x128xi32, #tpu.memory_space<hbm>> -> memref<262144x128xi32, #tpu.memory_space<hbm>>
    tpu.wait_indirect_dma semaphore(%arg9 : memref<!tpu.dma_semaphore, #tpu.memory_space<semaphore_mem>>) src(%dma_wait3A_147 : memref<262144x128xi32, #tpu.memory_space<hbm>>) dst(%dma_wait3A_144 : memref<128x128xi32, #tpu.memory_space<vmem>>)
    %mul3A_148 = arith.constant 256 : i32
    %mul3A_149 = arith.muli %add3A_115, %mul3A_148 : i32
    "tpu.region"() ({
      %run_scoped3A = tpu.sem_alloc : memref<!tpu.dma_semaphore, #tpu.memory_space<semaphore_mem>>
      %dma_start3A_302 = arith.constant 0 : i32
      %dma_start3A_303 = tpu.memref_slice %arg4[%mul3A_149, %dma_start3A_302] : memref<65536x128xi32, #tpu.memory_space<hbm>> -> memref<256x128xi32, #tpu.memory_space<hbm>>
      %dma_start3A_304 = arith.constant 0 : i32
      %dma_start3A_305 = tpu.memref_slice %arg4[%mul3A_149, %dma_start3A_304] : memref<65536x128xi32, #tpu.memory_space<hbm>> -> memref<256x128xi32, #tpu.memory_space<hbm>>
      tpu.enqueue_dma source(%arg8 : memref<256x128xi32, #tpu.memory_space<vmem>>) target(%dma_start3A_305 : memref<256x128xi32, #tpu.memory_space<hbm>>) target_semaphore(%run_scoped3A : memref<!tpu.dma_semaphore, #tpu.memory_space<semaphore_mem>>)
      %dma_wait3A_306 = arith.constant 0 : i32
      %dma_wait3A_307 = tpu.memref_slice %arg4[%mul3A_149, %dma_wait3A_306] : memref<65536x128xi32, #tpu.memory_space<hbm>> -> memref<256x128xi32, #tpu.memory_space<hbm>>
      %dma_wait3A_308 = arith.constant 0 : i32
      %dma_wait3A_309 = tpu.memref_slice %arg4[%mul3A_149, %dma_wait3A_308] : memref<65536x128xi32, #tpu.memory_space<hbm>> -> memref<256x128xi32, #tpu.memory_space<hbm>>
      tpu.wait_dma2 semaphore(%run_scoped3A : memref<!tpu.dma_semaphore, #tpu.memory_space<semaphore_mem>>) src(%arg8 : memref<256x128xi32, #tpu.memory_space<vmem>>) dst(%dma_wait3A_309 : memref<256x128xi32, #tpu.memory_space<hbm>>)
      tpu.yield
    }) : () -> ()
    %mul3A_150 = arith.constant 8 : i32
    %mul3A_151 = arith.muli %add3A, %mul3A_150 : i32
    %add3A_152 = arith.constant 4 : i32
    %add3A_153 = arith.addi %mul3A_151, %add3A_152 : i32
    %mul3A_154 = arith.constant 1024 : i32
    %mul3A_155 = arith.muli %add3A_153, %mul3A_154 : i32
    "tpu.region"() ({
      %run_scoped3A = tpu.sem_alloc : memref<!tpu.dma_semaphore, #tpu.memory_space<semaphore_mem>>
      %dma_start3A_302 = tpu.memref_slice %arg2[%mul3A_155] : memref<262144xi32, #tpu.memory_space<hbm>> -> memref<1024xi32, #tpu.memory_space<hbm>>
      %dma_start3A_303 = tpu.memref_slice %arg2[%mul3A_155] : memref<262144xi32, #tpu.memory_space<hbm>> -> memref<1024xi32, #tpu.memory_space<hbm>>
      tpu.enqueue_dma source(%dma_start3A_303 : memref<1024xi32, #tpu.memory_space<hbm>>) target(%arg5 : memref<1024xi32, #tpu.memory_space<vmem>>) target_semaphore(%run_scoped3A : memref<!tpu.dma_semaphore, #tpu.memory_space<semaphore_mem>>)
      %dma_wait3A_304 = tpu.memref_slice %arg2[%mul3A_155] : memref<262144xi32, #tpu.memory_space<hbm>> -> memref<1024xi32, #tpu.memory_space<hbm>>
      %dma_wait3A_305 = tpu.memref_slice %arg2[%mul3A_155] : memref<262144xi32, #tpu.memory_space<hbm>> -> memref<1024xi32, #tpu.memory_space<hbm>>
      tpu.wait_dma2 semaphore(%run_scoped3A : memref<!tpu.dma_semaphore, #tpu.memory_space<semaphore_mem>>) src(%dma_wait3A_305 : memref<1024xi32, #tpu.memory_space<hbm>>) dst(%arg5 : memref<1024xi32, #tpu.memory_space<vmem>>)
      tpu.yield
    }) : () -> ()
    %scan3A_156 = arith.constant 0 : i32
    %scan3A_157 = arith.constant 0 : i32
    %scan3A_158 = arith.constant 64 : i32
    %scan3A_159 = arith.addi %scan3A_157, %scan3A_158 : i32
    %scan3A_160 = arith.constant 1 : i32
    scf.for %scan3A_302 = %scan3A_157 to %scan3A_159 step %scan3A_160  : i32 {
      %mul3A_303 = arith.constant 16 : i32
      %mul3A_304 = arith.muli %scan3A_302, %mul3A_303 : i32
      %get3A = arith.index_cast %mul3A_304 : i32 to index
      %get3A_305 = tpu.vector_load %arg5[%get3A] {strides = array<i32>} : memref<1024xi32, #tpu.memory_space<vmem>>, vector<16xi32>,
      %mul3A_306 = arith.constant 16 : i32
      %mul3A_307 = arith.muli %scan3A_302, %mul3A_306 : i32
      %add3A_308 = vector.broadcast %mul3A_307 : i32 to vector<16xi32>
      %add3A_309 = arith.addi %iota3A, %add3A_308 : vector<16xi32>
      %mul3A_310 = arith.constant 256 : i32
      %mul3A_311 = vector.broadcast %mul3A_310 : i32 to vector<16xi32>
      %mul3A_312 = arith.muli %add3A_309, %mul3A_311 : vector<16xi32>
      %add3A_313 = vector.broadcast %add3A_153 : i32 to vector<16xi32>
      %add3A_314 = arith.addi %mul3A_312, %add3A_313 : vector<16xi32>
      %lt3A = arith.constant 128 : i32
      %lt3A_315 = vector.broadcast %lt3A : i32 to vector<16xi32>
      %lt3A_316 = arith.cmpi slt, %get3A_305, %lt3A_315 : vector<16xi32>
      %ge3A = arith.constant 128 : i32
      %ge3A_317 = vector.broadcast %ge3A : i32 to vector<16xi32>
      %ge3A_318 = arith.cmpi sge, %get3A_305, %ge3A_317 : vector<16xi32>
      %lt3A_319 = arith.constant 256 : i32
      %lt3A_320 = vector.broadcast %lt3A_319 : i32 to vector<16xi32>
      %lt3A_321 = arith.cmpi slt, %get3A_305, %lt3A_320 : vector<16xi32>
      %and3A = arith.andi %ge3A_318, %lt3A_321 : vector<16xi1>
      tpu.vector_store_idx %arg6[%get3A_305], %add3A_314 masked %lt3A_316 : memref<128xi32, #tpu.memory_space<vmem>>[vector<16xi32>], vector<16xi32>, vector<16xi1>
      %sub3A = arith.constant 128 : i32
      %sub3A_322 = vector.broadcast %sub3A : i32 to vector<16xi32>
      %sub3A_323 = arith.subi %get3A_305, %sub3A_322 : vector<16xi32>
      tpu.vector_store_idx %arg7[%sub3A_323], %add3A_314 masked %and3A : memref<128xi32, #tpu.memory_space<vmem>>[vector<16xi32>], vector<16xi32>, vector<16xi1>
    }
    %scan3A_161 = arith.constant 64 : i32
    %dma_start3A_162 = arith.constant 0 : i32
    %dma_start3A_163 = arith.constant 0 : i32
    %dma_start3A_164 = tpu.memref_slice %arg8[%dma_start3A_162, %dma_start3A_163] : memref<256x128xi32, #tpu.memory_space<vmem>> -> memref<128x128xi32, #tpu.memory_space<vmem>>
    %dma_start3A_165 = arith.constant 0 : i32
    %dma_start3A_166 = arith.constant 0 : i32
    %dma_start3A_167 = tpu.memref_slice %arg3[%dma_start3A_165, %dma_start3A_166] : memref<262144x128xi32, #tpu.memory_space<hbm>> -> memref<262144x128xi32, #tpu.memory_space<hbm>>
    tpu.enqueue_indirect_dma source(%dma_start3A_167 : memref<262144x128xi32, #tpu.memory_space<hbm>>) target(%dma_start3A_164 : memref<128x128xi32, #tpu.memory_space<vmem>>) offsets(%arg6 : memref<128xi32, #tpu.memory_space<vmem>>) semaphore(%arg9 : memref<!tpu.dma_semaphore, #tpu.memory_space<semaphore_mem>>)
    %dma_wait3A_168 = arith.constant 0 : i32
    %dma_wait3A_169 = arith.constant 0 : i32
    %dma_wait3A_170 = tpu.memref_slice %arg8[%dma_wait3A_168, %dma_wait3A_169] : memref<256x128xi32, #tpu.memory_space<vmem>> -> memref<128x128xi32, #tpu.memory_space<vmem>>
    %dma_wait3A_171 = arith.constant 0 : i32
    %dma_wait3A_172 = arith.constant 0 : i32
    %dma_wait3A_173 = tpu.memref_slice %arg3[%dma_wait3A_171, %dma_wait3A_172] : memref<262144x128xi32, #tpu.memory_space<hbm>> -> memref<262144x128xi32, #tpu.memory_space<hbm>>
    tpu.wait_indirect_dma semaphore(%arg9 : memref<!tpu.dma_semaphore, #tpu.memory_space<semaphore_mem>>) src(%dma_wait3A_173 : memref<262144x128xi32, #tpu.memory_space<hbm>>) dst(%dma_wait3A_170 : memref<128x128xi32, #tpu.memory_space<vmem>>)
    %dma_start3A_174 = arith.constant 128 : i32
    %dma_start3A_175 = arith.constant 0 : i32
    %dma_start3A_176 = tpu.memref_slice %arg8[%dma_start3A_174, %dma_start3A_175] : memref<256x128xi32, #tpu.memory_space<vmem>> -> memref<128x128xi32, #tpu.memory_space<vmem>>
    %dma_start3A_177 = arith.constant 0 : i32
    %dma_start3A_178 = arith.constant 0 : i32
    %dma_start3A_179 = tpu.memref_slice %arg3[%dma_start3A_177, %dma_start3A_178] : memref<262144x128xi32, #tpu.memory_space<hbm>> -> memref<262144x128xi32, #tpu.memory_space<hbm>>
    tpu.enqueue_indirect_dma source(%dma_start3A_179 : memref<262144x128xi32, #tpu.memory_space<hbm>>) target(%dma_start3A_176 : memref<128x128xi32, #tpu.memory_space<vmem>>) offsets(%arg7 : memref<128xi32, #tpu.memory_space<vmem>>) semaphore(%arg9 : memref<!tpu.dma_semaphore, #tpu.memory_space<semaphore_mem>>)
    %dma_wait3A_180 = arith.constant 128 : i32
    %dma_wait3A_181 = arith.constant 0 : i32
    %dma_wait3A_182 = tpu.memref_slice %arg8[%dma_wait3A_180, %dma_wait3A_181] : memref<256x128xi32, #tpu.memory_space<vmem>> -> memref<128x128xi32, #tpu.memory_space<vmem>>
    %dma_wait3A_183 = arith.constant 0 : i32
    %dma_wait3A_184 = arith.constant 0 : i32
    %dma_wait3A_185 = tpu.memref_slice %arg3[%dma_wait3A_183, %dma_wait3A_184] : memref<262144x128xi32, #tpu.memory_space<hbm>> -> memref<262144x128xi32, #tpu.memory_space<hbm>>
    tpu.wait_indirect_dma semaphore(%arg9 : memref<!tpu.dma_semaphore, #tpu.memory_space<semaphore_mem>>) src(%dma_wait3A_185 : memref<262144x128xi32, #tpu.memory_space<hbm>>) dst(%dma_wait3A_182 : memref<128x128xi32, #tpu.memory_space<vmem>>)
    %mul3A_186 = arith.constant 256 : i32
    %mul3A_187 = arith.muli %add3A_153, %mul3A_186 : i32
    "tpu.region"() ({
      %run_scoped3A = tpu.sem_alloc : memref<!tpu.dma_semaphore, #tpu.memory_space<semaphore_mem>>
      %dma_start3A_302 = arith.constant 0 : i32
      %dma_start3A_303 = tpu.memref_slice %arg4[%mul3A_187, %dma_start3A_302] : memref<65536x128xi32, #tpu.memory_space<hbm>> -> memref<256x128xi32, #tpu.memory_space<hbm>>
      %dma_start3A_304 = arith.constant 0 : i32
      %dma_start3A_305 = tpu.memref_slice %arg4[%mul3A_187, %dma_start3A_304] : memref<65536x128xi32, #tpu.memory_space<hbm>> -> memref<256x128xi32, #tpu.memory_space<hbm>>
      tpu.enqueue_dma source(%arg8 : memref<256x128xi32, #tpu.memory_space<vmem>>) target(%dma_start3A_305 : memref<256x128xi32, #tpu.memory_space<hbm>>) target_semaphore(%run_scoped3A : memref<!tpu.dma_semaphore, #tpu.memory_space<semaphore_mem>>)
      %dma_wait3A_306 = arith.constant 0 : i32
      %dma_wait3A_307 = tpu.memref_slice %arg4[%mul3A_187, %dma_wait3A_306] : memref<65536x128xi32, #tpu.memory_space<hbm>> -> memref<256x128xi32, #tpu.memory_space<hbm>>
      %dma_wait3A_308 = arith.constant 0 : i32
      %dma_wait3A_309 = tpu.memref_slice %arg4[%mul3A_187, %dma_wait3A_308] : memref<65536x128xi32, #tpu.memory_space<hbm>> -> memref<256x128xi32, #tpu.memory_space<hbm>>
      tpu.wait_dma2 semaphore(%run_scoped3A : memref<!tpu.dma_semaphore, #tpu.memory_space<semaphore_mem>>) src(%arg8 : memref<256x128xi32, #tpu.memory_space<vmem>>) dst(%dma_wait3A_309 : memref<256x128xi32, #tpu.memory_space<hbm>>)
      tpu.yield
    }) : () -> ()
    %mul3A_188 = arith.constant 8 : i32
    %mul3A_189 = arith.muli %add3A, %mul3A_188 : i32
    %add3A_190 = arith.constant 5 : i32
    %add3A_191 = arith.addi %mul3A_189, %add3A_190 : i32
    %mul3A_192 = arith.constant 1024 : i32
    %mul3A_193 = arith.muli %add3A_191, %mul3A_192 : i32
    "tpu.region"() ({
      %run_scoped3A = tpu.sem_alloc : memref<!tpu.dma_semaphore, #tpu.memory_space<semaphore_mem>>
      %dma_start3A_302 = tpu.memref_slice %arg2[%mul3A_193] : memref<262144xi32, #tpu.memory_space<hbm>> -> memref<1024xi32, #tpu.memory_space<hbm>>
      %dma_start3A_303 = tpu.memref_slice %arg2[%mul3A_193] : memref<262144xi32, #tpu.memory_space<hbm>> -> memref<1024xi32, #tpu.memory_space<hbm>>
      tpu.enqueue_dma source(%dma_start3A_303 : memref<1024xi32, #tpu.memory_space<hbm>>) target(%arg5 : memref<1024xi32, #tpu.memory_space<vmem>>) target_semaphore(%run_scoped3A : memref<!tpu.dma_semaphore, #tpu.memory_space<semaphore_mem>>)
      %dma_wait3A_304 = tpu.memref_slice %arg2[%mul3A_193] : memref<262144xi32, #tpu.memory_space<hbm>> -> memref<1024xi32, #tpu.memory_space<hbm>>
      %dma_wait3A_305 = tpu.memref_slice %arg2[%mul3A_193] : memref<262144xi32, #tpu.memory_space<hbm>> -> memref<1024xi32, #tpu.memory_space<hbm>>
      tpu.wait_dma2 semaphore(%run_scoped3A : memref<!tpu.dma_semaphore, #tpu.memory_space<semaphore_mem>>) src(%dma_wait3A_305 : memref<1024xi32, #tpu.memory_space<hbm>>) dst(%arg5 : memref<1024xi32, #tpu.memory_space<vmem>>)
      tpu.yield
    }) : () -> ()
    %scan3A_194 = arith.constant 0 : i32
    %scan3A_195 = arith.constant 0 : i32
    %scan3A_196 = arith.constant 64 : i32
    %scan3A_197 = arith.addi %scan3A_195, %scan3A_196 : i32
    %scan3A_198 = arith.constant 1 : i32
    scf.for %scan3A_302 = %scan3A_195 to %scan3A_197 step %scan3A_198  : i32 {
      %mul3A_303 = arith.constant 16 : i32
      %mul3A_304 = arith.muli %scan3A_302, %mul3A_303 : i32
      %get3A = arith.index_cast %mul3A_304 : i32 to index
      %get3A_305 = tpu.vector_load %arg5[%get3A] {strides = array<i32>} : memref<1024xi32, #tpu.memory_space<vmem>>, vector<16xi32>,
      %mul3A_306 = arith.constant 16 : i32
      %mul3A_307 = arith.muli %scan3A_302, %mul3A_306 : i32
      %add3A_308 = vector.broadcast %mul3A_307 : i32 to vector<16xi32>
      %add3A_309 = arith.addi %iota3A, %add3A_308 : vector<16xi32>
      %mul3A_310 = arith.constant 256 : i32
      %mul3A_311 = vector.broadcast %mul3A_310 : i32 to vector<16xi32>
      %mul3A_312 = arith.muli %add3A_309, %mul3A_311 : vector<16xi32>
      %add3A_313 = vector.broadcast %add3A_191 : i32 to vector<16xi32>
      %add3A_314 = arith.addi %mul3A_312, %add3A_313 : vector<16xi32>
      %lt3A = arith.constant 128 : i32
      %lt3A_315 = vector.broadcast %lt3A : i32 to vector<16xi32>
      %lt3A_316 = arith.cmpi slt, %get3A_305, %lt3A_315 : vector<16xi32>
      %ge3A = arith.constant 128 : i32
      %ge3A_317 = vector.broadcast %ge3A : i32 to vector<16xi32>
      %ge3A_318 = arith.cmpi sge, %get3A_305, %ge3A_317 : vector<16xi32>
      %lt3A_319 = arith.constant 256 : i32
      %lt3A_320 = vector.broadcast %lt3A_319 : i32 to vector<16xi32>
      %lt3A_321 = arith.cmpi slt, %get3A_305, %lt3A_320 : vector<16xi32>
      %and3A = arith.andi %ge3A_318, %lt3A_321 : vector<16xi1>
      tpu.vector_store_idx %arg6[%get3A_305], %add3A_314 masked %lt3A_316 : memref<128xi32, #tpu.memory_space<vmem>>[vector<16xi32>], vector<16xi32>, vector<16xi1>
      %sub3A = arith.constant 128 : i32
      %sub3A_322 = vector.broadcast %sub3A : i32 to vector<16xi32>
      %sub3A_323 = arith.subi %get3A_305, %sub3A_322 : vector<16xi32>
      tpu.vector_store_idx %arg7[%sub3A_323], %add3A_314 masked %and3A : memref<128xi32, #tpu.memory_space<vmem>>[vector<16xi32>], vector<16xi32>, vector<16xi1>
    }
    %scan3A_199 = arith.constant 64 : i32
    %dma_start3A_200 = arith.constant 0 : i32
    %dma_start3A_201 = arith.constant 0 : i32
    %dma_start3A_202 = tpu.memref_slice %arg8[%dma_start3A_200, %dma_start3A_201] : memref<256x128xi32, #tpu.memory_space<vmem>> -> memref<128x128xi32, #tpu.memory_space<vmem>>
    %dma_start3A_203 = arith.constant 0 : i32
    %dma_start3A_204 = arith.constant 0 : i32
    %dma_start3A_205 = tpu.memref_slice %arg3[%dma_start3A_203, %dma_start3A_204] : memref<262144x128xi32, #tpu.memory_space<hbm>> -> memref<262144x128xi32, #tpu.memory_space<hbm>>
    tpu.enqueue_indirect_dma source(%dma_start3A_205 : memref<262144x128xi32, #tpu.memory_space<hbm>>) target(%dma_start3A_202 : memref<128x128xi32, #tpu.memory_space<vmem>>) offsets(%arg6 : memref<128xi32, #tpu.memory_space<vmem>>) semaphore(%arg9 : memref<!tpu.dma_semaphore, #tpu.memory_space<semaphore_mem>>)
    %dma_wait3A_206 = arith.constant 0 : i32
    %dma_wait3A_207 = arith.constant 0 : i32
    %dma_wait3A_208 = tpu.memref_slice %arg8[%dma_wait3A_206, %dma_wait3A_207] : memref<256x128xi32, #tpu.memory_space<vmem>> -> memref<128x128xi32, #tpu.memory_space<vmem>>
    %dma_wait3A_209 = arith.constant 0 : i32
    %dma_wait3A_210 = arith.constant 0 : i32
    %dma_wait3A_211 = tpu.memref_slice %arg3[%dma_wait3A_209, %dma_wait3A_210] : memref<262144x128xi32, #tpu.memory_space<hbm>> -> memref<262144x128xi32, #tpu.memory_space<hbm>>
    tpu.wait_indirect_dma semaphore(%arg9 : memref<!tpu.dma_semaphore, #tpu.memory_space<semaphore_mem>>) src(%dma_wait3A_211 : memref<262144x128xi32, #tpu.memory_space<hbm>>) dst(%dma_wait3A_208 : memref<128x128xi32, #tpu.memory_space<vmem>>)
    %dma_start3A_212 = arith.constant 128 : i32
    %dma_start3A_213 = arith.constant 0 : i32
    %dma_start3A_214 = tpu.memref_slice %arg8[%dma_start3A_212, %dma_start3A_213] : memref<256x128xi32, #tpu.memory_space<vmem>> -> memref<128x128xi32, #tpu.memory_space<vmem>>
    %dma_start3A_215 = arith.constant 0 : i32
    %dma_start3A_216 = arith.constant 0 : i32
    %dma_start3A_217 = tpu.memref_slice %arg3[%dma_start3A_215, %dma_start3A_216] : memref<262144x128xi32, #tpu.memory_space<hbm>> -> memref<262144x128xi32, #tpu.memory_space<hbm>>
    tpu.enqueue_indirect_dma source(%dma_start3A_217 : memref<262144x128xi32, #tpu.memory_space<hbm>>) target(%dma_start3A_214 : memref<128x128xi32, #tpu.memory_space<vmem>>) offsets(%arg7 : memref<128xi32, #tpu.memory_space<vmem>>) semaphore(%arg9 : memref<!tpu.dma_semaphore, #tpu.memory_space<semaphore_mem>>)
    %dma_wait3A_218 = arith.constant 128 : i32
    %dma_wait3A_219 = arith.constant 0 : i32
    %dma_wait3A_220 = tpu.memref_slice %arg8[%dma_wait3A_218, %dma_wait3A_219] : memref<256x128xi32, #tpu.memory_space<vmem>> -> memref<128x128xi32, #tpu.memory_space<vmem>>
    %dma_wait3A_221 = arith.constant 0 : i32
    %dma_wait3A_222 = arith.constant 0 : i32
    %dma_wait3A_223 = tpu.memref_slice %arg3[%dma_wait3A_221, %dma_wait3A_222] : memref<262144x128xi32, #tpu.memory_space<hbm>> -> memref<262144x128xi32, #tpu.memory_space<hbm>>
    tpu.wait_indirect_dma semaphore(%arg9 : memref<!tpu.dma_semaphore, #tpu.memory_space<semaphore_mem>>) src(%dma_wait3A_223 : memref<262144x128xi32, #tpu.memory_space<hbm>>) dst(%dma_wait3A_220 : memref<128x128xi32, #tpu.memory_space<vmem>>)
    %mul3A_224 = arith.constant 256 : i32
    %mul3A_225 = arith.muli %add3A_191, %mul3A_224 : i32
    "tpu.region"() ({
      %run_scoped3A = tpu.sem_alloc : memref<!tpu.dma_semaphore, #tpu.memory_space<semaphore_mem>>
      %dma_start3A_302 = arith.constant 0 : i32
      %dma_start3A_303 = tpu.memref_slice %arg4[%mul3A_225, %dma_start3A_302] : memref<65536x128xi32, #tpu.memory_space<hbm>> -> memref<256x128xi32, #tpu.memory_space<hbm>>
      %dma_start3A_304 = arith.constant 0 : i32
      %dma_start3A_305 = tpu.memref_slice %arg4[%mul3A_225, %dma_start3A_304] : memref<65536x128xi32, #tpu.memory_space<hbm>> -> memref<256x128xi32, #tpu.memory_space<hbm>>
      tpu.enqueue_dma source(%arg8 : memref<256x128xi32, #tpu.memory_space<vmem>>) target(%dma_start3A_305 : memref<256x128xi32, #tpu.memory_space<hbm>>) target_semaphore(%run_scoped3A : memref<!tpu.dma_semaphore, #tpu.memory_space<semaphore_mem>>)
      %dma_wait3A_306 = arith.constant 0 : i32
      %dma_wait3A_307 = tpu.memref_slice %arg4[%mul3A_225, %dma_wait3A_306] : memref<65536x128xi32, #tpu.memory_space<hbm>> -> memref<256x128xi32, #tpu.memory_space<hbm>>
      %dma_wait3A_308 = arith.constant 0 : i32
      %dma_wait3A_309 = tpu.memref_slice %arg4[%mul3A_225, %dma_wait3A_308] : memref<65536x128xi32, #tpu.memory_space<hbm>> -> memref<256x128xi32, #tpu.memory_space<hbm>>
      tpu.wait_dma2 semaphore(%run_scoped3A : memref<!tpu.dma_semaphore, #tpu.memory_space<semaphore_mem>>) src(%arg8 : memref<256x128xi32, #tpu.memory_space<vmem>>) dst(%dma_wait3A_309 : memref<256x128xi32, #tpu.memory_space<hbm>>)
      tpu.yield
    }) : () -> ()
    %mul3A_226 = arith.constant 8 : i32
    %mul3A_227 = arith.muli %add3A, %mul3A_226 : i32
    %add3A_228 = arith.constant 6 : i32
    %add3A_229 = arith.addi %mul3A_227, %add3A_228 : i32
    %mul3A_230 = arith.constant 1024 : i32
    %mul3A_231 = arith.muli %add3A_229, %mul3A_230 : i32
    "tpu.region"() ({
      %run_scoped3A = tpu.sem_alloc : memref<!tpu.dma_semaphore, #tpu.memory_space<semaphore_mem>>
      %dma_start3A_302 = tpu.memref_slice %arg2[%mul3A_231] : memref<262144xi32, #tpu.memory_space<hbm>> -> memref<1024xi32, #tpu.memory_space<hbm>>
      %dma_start3A_303 = tpu.memref_slice %arg2[%mul3A_231] : memref<262144xi32, #tpu.memory_space<hbm>> -> memref<1024xi32, #tpu.memory_space<hbm>>
      tpu.enqueue_dma source(%dma_start3A_303 : memref<1024xi32, #tpu.memory_space<hbm>>) target(%arg5 : memref<1024xi32, #tpu.memory_space<vmem>>) target_semaphore(%run_scoped3A : memref<!tpu.dma_semaphore, #tpu.memory_space<semaphore_mem>>)
      %dma_wait3A_304 = tpu.memref_slice %arg2[%mul3A_231] : memref<262144xi32, #tpu.memory_space<hbm>> -> memref<1024xi32, #tpu.memory_space<hbm>>
      %dma_wait3A_305 = tpu.memref_slice %arg2[%mul3A_231] : memref<262144xi32, #tpu.memory_space<hbm>> -> memref<1024xi32, #tpu.memory_space<hbm>>
      tpu.wait_dma2 semaphore(%run_scoped3A : memref<!tpu.dma_semaphore, #tpu.memory_space<semaphore_mem>>) src(%dma_wait3A_305 : memref<1024xi32, #tpu.memory_space<hbm>>) dst(%arg5 : memref<1024xi32, #tpu.memory_space<vmem>>)
      tpu.yield
    }) : () -> ()
    %scan3A_232 = arith.constant 0 : i32
    %scan3A_233 = arith.constant 0 : i32
    %scan3A_234 = arith.constant 64 : i32
    %scan3A_235 = arith.addi %scan3A_233, %scan3A_234 : i32
    %scan3A_236 = arith.constant 1 : i32
    scf.for %scan3A_302 = %scan3A_233 to %scan3A_235 step %scan3A_236  : i32 {
      %mul3A_303 = arith.constant 16 : i32
      %mul3A_304 = arith.muli %scan3A_302, %mul3A_303 : i32
      %get3A = arith.index_cast %mul3A_304 : i32 to index
      %get3A_305 = tpu.vector_load %arg5[%get3A] {strides = array<i32>} : memref<1024xi32, #tpu.memory_space<vmem>>, vector<16xi32>,
      %mul3A_306 = arith.constant 16 : i32
      %mul3A_307 = arith.muli %scan3A_302, %mul3A_306 : i32
      %add3A_308 = vector.broadcast %mul3A_307 : i32 to vector<16xi32>
      %add3A_309 = arith.addi %iota3A, %add3A_308 : vector<16xi32>
      %mul3A_310 = arith.constant 256 : i32
      %mul3A_311 = vector.broadcast %mul3A_310 : i32 to vector<16xi32>
      %mul3A_312 = arith.muli %add3A_309, %mul3A_311 : vector<16xi32>
      %add3A_313 = vector.broadcast %add3A_229 : i32 to vector<16xi32>
      %add3A_314 = arith.addi %mul3A_312, %add3A_313 : vector<16xi32>
      %lt3A = arith.constant 128 : i32
      %lt3A_315 = vector.broadcast %lt3A : i32 to vector<16xi32>
      %lt3A_316 = arith.cmpi slt, %get3A_305, %lt3A_315 : vector<16xi32>
      %ge3A = arith.constant 128 : i32
      %ge3A_317 = vector.broadcast %ge3A : i32 to vector<16xi32>
      %ge3A_318 = arith.cmpi sge, %get3A_305, %ge3A_317 : vector<16xi32>
      %lt3A_319 = arith.constant 256 : i32
      %lt3A_320 = vector.broadcast %lt3A_319 : i32 to vector<16xi32>
      %lt3A_321 = arith.cmpi slt, %get3A_305, %lt3A_320 : vector<16xi32>
      %and3A = arith.andi %ge3A_318, %lt3A_321 : vector<16xi1>
      tpu.vector_store_idx %arg6[%get3A_305], %add3A_314 masked %lt3A_316 : memref<128xi32, #tpu.memory_space<vmem>>[vector<16xi32>], vector<16xi32>, vector<16xi1>
      %sub3A = arith.constant 128 : i32
      %sub3A_322 = vector.broadcast %sub3A : i32 to vector<16xi32>
      %sub3A_323 = arith.subi %get3A_305, %sub3A_322 : vector<16xi32>
      tpu.vector_store_idx %arg7[%sub3A_323], %add3A_314 masked %and3A : memref<128xi32, #tpu.memory_space<vmem>>[vector<16xi32>], vector<16xi32>, vector<16xi1>
    }
    %scan3A_237 = arith.constant 64 : i32
    %dma_start3A_238 = arith.constant 0 : i32
    %dma_start3A_239 = arith.constant 0 : i32
    %dma_start3A_240 = tpu.memref_slice %arg8[%dma_start3A_238, %dma_start3A_239] : memref<256x128xi32, #tpu.memory_space<vmem>> -> memref<128x128xi32, #tpu.memory_space<vmem>>
    %dma_start3A_241 = arith.constant 0 : i32
    %dma_start3A_242 = arith.constant 0 : i32
    %dma_start3A_243 = tpu.memref_slice %arg3[%dma_start3A_241, %dma_start3A_242] : memref<262144x128xi32, #tpu.memory_space<hbm>> -> memref<262144x128xi32, #tpu.memory_space<hbm>>
    tpu.enqueue_indirect_dma source(%dma_start3A_243 : memref<262144x128xi32, #tpu.memory_space<hbm>>) target(%dma_start3A_240 : memref<128x128xi32, #tpu.memory_space<vmem>>) offsets(%arg6 : memref<128xi32, #tpu.memory_space<vmem>>) semaphore(%arg9 : memref<!tpu.dma_semaphore, #tpu.memory_space<semaphore_mem>>)
    %dma_wait3A_244 = arith.constant 0 : i32
    %dma_wait3A_245 = arith.constant 0 : i32
    %dma_wait3A_246 = tpu.memref_slice %arg8[%dma_wait3A_244, %dma_wait3A_245] : memref<256x128xi32, #tpu.memory_space<vmem>> -> memref<128x128xi32, #tpu.memory_space<vmem>>
    %dma_wait3A_247 = arith.constant 0 : i32
    %dma_wait3A_248 = arith.constant 0 : i32
    %dma_wait3A_249 = tpu.memref_slice %arg3[%dma_wait3A_247, %dma_wait3A_248] : memref<262144x128xi32, #tpu.memory_space<hbm>> -> memref<262144x128xi32, #tpu.memory_space<hbm>>
    tpu.wait_indirect_dma semaphore(%arg9 : memref<!tpu.dma_semaphore, #tpu.memory_space<semaphore_mem>>) src(%dma_wait3A_249 : memref<262144x128xi32, #tpu.memory_space<hbm>>) dst(%dma_wait3A_246 : memref<128x128xi32, #tpu.memory_space<vmem>>)
    %dma_start3A_250 = arith.constant 128 : i32
    %dma_start3A_251 = arith.constant 0 : i32
    %dma_start3A_252 = tpu.memref_slice %arg8[%dma_start3A_250, %dma_start3A_251] : memref<256x128xi32, #tpu.memory_space<vmem>> -> memref<128x128xi32, #tpu.memory_space<vmem>>
    %dma_start3A_253 = arith.constant 0 : i32
    %dma_start3A_254 = arith.constant 0 : i32
    %dma_start3A_255 = tpu.memref_slice %arg3[%dma_start3A_253, %dma_start3A_254] : memref<262144x128xi32, #tpu.memory_space<hbm>> -> memref<262144x128xi32, #tpu.memory_space<hbm>>
    tpu.enqueue_indirect_dma source(%dma_start3A_255 : memref<262144x128xi32, #tpu.memory_space<hbm>>) target(%dma_start3A_252 : memref<128x128xi32, #tpu.memory_space<vmem>>) offsets(%arg7 : memref<128xi32, #tpu.memory_space<vmem>>) semaphore(%arg9 : memref<!tpu.dma_semaphore, #tpu.memory_space<semaphore_mem>>)
    %dma_wait3A_256 = arith.constant 128 : i32
    %dma_wait3A_257 = arith.constant 0 : i32
    %dma_wait3A_258 = tpu.memref_slice %arg8[%dma_wait3A_256, %dma_wait3A_257] : memref<256x128xi32, #tpu.memory_space<vmem>> -> memref<128x128xi32, #tpu.memory_space<vmem>>
    %dma_wait3A_259 = arith.constant 0 : i32
    %dma_wait3A_260 = arith.constant 0 : i32
    %dma_wait3A_261 = tpu.memref_slice %arg3[%dma_wait3A_259, %dma_wait3A_260] : memref<262144x128xi32, #tpu.memory_space<hbm>> -> memref<262144x128xi32, #tpu.memory_space<hbm>>
    tpu.wait_indirect_dma semaphore(%arg9 : memref<!tpu.dma_semaphore, #tpu.memory_space<semaphore_mem>>) src(%dma_wait3A_261 : memref<262144x128xi32, #tpu.memory_space<hbm>>) dst(%dma_wait3A_258 : memref<128x128xi32, #tpu.memory_space<vmem>>)
    %mul3A_262 = arith.constant 256 : i32
    %mul3A_263 = arith.muli %add3A_229, %mul3A_262 : i32
    "tpu.region"() ({
      %run_scoped3A = tpu.sem_alloc : memref<!tpu.dma_semaphore, #tpu.memory_space<semaphore_mem>>
      %dma_start3A_302 = arith.constant 0 : i32
      %dma_start3A_303 = tpu.memref_slice %arg4[%mul3A_263, %dma_start3A_302] : memref<65536x128xi32, #tpu.memory_space<hbm>> -> memref<256x128xi32, #tpu.memory_space<hbm>>
      %dma_start3A_304 = arith.constant 0 : i32
      %dma_start3A_305 = tpu.memref_slice %arg4[%mul3A_263, %dma_start3A_304] : memref<65536x128xi32, #tpu.memory_space<hbm>> -> memref<256x128xi32, #tpu.memory_space<hbm>>
      tpu.enqueue_dma source(%arg8 : memref<256x128xi32, #tpu.memory_space<vmem>>) target(%dma_start3A_305 : memref<256x128xi32, #tpu.memory_space<hbm>>) target_semaphore(%run_scoped3A : memref<!tpu.dma_semaphore, #tpu.memory_space<semaphore_mem>>)
      %dma_wait3A_306 = arith.constant 0 : i32
      %dma_wait3A_307 = tpu.memref_slice %arg4[%mul3A_263, %dma_wait3A_306] : memref<65536x128xi32, #tpu.memory_space<hbm>> -> memref<256x128xi32, #tpu.memory_space<hbm>>
      %dma_wait3A_308 = arith.constant 0 : i32
      %dma_wait3A_309 = tpu.memref_slice %arg4[%mul3A_263, %dma_wait3A_308] : memref<65536x128xi32, #tpu.memory_space<hbm>> -> memref<256x128xi32, #tpu.memory_space<hbm>>
      tpu.wait_dma2 semaphore(%run_scoped3A : memref<!tpu.dma_semaphore, #tpu.memory_space<semaphore_mem>>) src(%arg8 : memref<256x128xi32, #tpu.memory_space<vmem>>) dst(%dma_wait3A_309 : memref<256x128xi32, #tpu.memory_space<hbm>>)
      tpu.yield
    }) : () -> ()
    %mul3A_264 = arith.constant 8 : i32
    %mul3A_265 = arith.muli %add3A, %mul3A_264 : i32
    %add3A_266 = arith.constant 7 : i32
    %add3A_267 = arith.addi %mul3A_265, %add3A_266 : i32
    %mul3A_268 = arith.constant 1024 : i32
    %mul3A_269 = arith.muli %add3A_267, %mul3A_268 : i32
    "tpu.region"() ({
      %run_scoped3A = tpu.sem_alloc : memref<!tpu.dma_semaphore, #tpu.memory_space<semaphore_mem>>
      %dma_start3A_302 = tpu.memref_slice %arg2[%mul3A_269] : memref<262144xi32, #tpu.memory_space<hbm>> -> memref<1024xi32, #tpu.memory_space<hbm>>
      %dma_start3A_303 = tpu.memref_slice %arg2[%mul3A_269] : memref<262144xi32, #tpu.memory_space<hbm>> -> memref<1024xi32, #tpu.memory_space<hbm>>
      tpu.enqueue_dma source(%dma_start3A_303 : memref<1024xi32, #tpu.memory_space<hbm>>) target(%arg5 : memref<1024xi32, #tpu.memory_space<vmem>>) target_semaphore(%run_scoped3A : memref<!tpu.dma_semaphore, #tpu.memory_space<semaphore_mem>>)
      %dma_wait3A_304 = tpu.memref_slice %arg2[%mul3A_269] : memref<262144xi32, #tpu.memory_space<hbm>> -> memref<1024xi32, #tpu.memory_space<hbm>>
      %dma_wait3A_305 = tpu.memref_slice %arg2[%mul3A_269] : memref<262144xi32, #tpu.memory_space<hbm>> -> memref<1024xi32, #tpu.memory_space<hbm>>
      tpu.wait_dma2 semaphore(%run_scoped3A : memref<!tpu.dma_semaphore, #tpu.memory_space<semaphore_mem>>) src(%dma_wait3A_305 : memref<1024xi32, #tpu.memory_space<hbm>>) dst(%arg5 : memref<1024xi32, #tpu.memory_space<vmem>>)
      tpu.yield
    }) : () -> ()
    %scan3A_270 = arith.constant 0 : i32
    %scan3A_271 = arith.constant 0 : i32
    %scan3A_272 = arith.constant 64 : i32
    %scan3A_273 = arith.addi %scan3A_271, %scan3A_272 : i32
    %scan3A_274 = arith.constant 1 : i32
    scf.for %scan3A_302 = %scan3A_271 to %scan3A_273 step %scan3A_274  : i32 {
      %mul3A_303 = arith.constant 16 : i32
      %mul3A_304 = arith.muli %scan3A_302, %mul3A_303 : i32
      %get3A = arith.index_cast %mul3A_304 : i32 to index
      %get3A_305 = tpu.vector_load %arg5[%get3A] {strides = array<i32>} : memref<1024xi32, #tpu.memory_space<vmem>>, vector<16xi32>,
      %mul3A_306 = arith.constant 16 : i32
      %mul3A_307 = arith.muli %scan3A_302, %mul3A_306 : i32
      %add3A_308 = vector.broadcast %mul3A_307 : i32 to vector<16xi32>
      %add3A_309 = arith.addi %iota3A, %add3A_308 : vector<16xi32>
      %mul3A_310 = arith.constant 256 : i32
      %mul3A_311 = vector.broadcast %mul3A_310 : i32 to vector<16xi32>
      %mul3A_312 = arith.muli %add3A_309, %mul3A_311 : vector<16xi32>
      %add3A_313 = vector.broadcast %add3A_267 : i32 to vector<16xi32>
      %add3A_314 = arith.addi %mul3A_312, %add3A_313 : vector<16xi32>
      %lt3A = arith.constant 128 : i32
      %lt3A_315 = vector.broadcast %lt3A : i32 to vector<16xi32>
      %lt3A_316 = arith.cmpi slt, %get3A_305, %lt3A_315 : vector<16xi32>
      %ge3A = arith.constant 128 : i32
      %ge3A_317 = vector.broadcast %ge3A : i32 to vector<16xi32>
      %ge3A_318 = arith.cmpi sge, %get3A_305, %ge3A_317 : vector<16xi32>
      %lt3A_319 = arith.constant 256 : i32
      %lt3A_320 = vector.broadcast %lt3A_319 : i32 to vector<16xi32>
      %lt3A_321 = arith.cmpi slt, %get3A_305, %lt3A_320 : vector<16xi32>
      %and3A = arith.andi %ge3A_318, %lt3A_321 : vector<16xi1>
      tpu.vector_store_idx %arg6[%get3A_305], %add3A_314 masked %lt3A_316 : memref<128xi32, #tpu.memory_space<vmem>>[vector<16xi32>], vector<16xi32>, vector<16xi1>
      %sub3A = arith.constant 128 : i32
      %sub3A_322 = vector.broadcast %sub3A : i32 to vector<16xi32>
      %sub3A_323 = arith.subi %get3A_305, %sub3A_322 : vector<16xi32>
      tpu.vector_store_idx %arg7[%sub3A_323], %add3A_314 masked %and3A : memref<128xi32, #tpu.memory_space<vmem>>[vector<16xi32>], vector<16xi32>, vector<16xi1>
    }
    %scan3A_275 = arith.constant 64 : i32
    %dma_start3A_276 = arith.constant 0 : i32
    %dma_start3A_277 = arith.constant 0 : i32
    %dma_start3A_278 = tpu.memref_slice %arg8[%dma_start3A_276, %dma_start3A_277] : memref<256x128xi32, #tpu.memory_space<vmem>> -> memref<128x128xi32, #tpu.memory_space<vmem>>
    %dma_start3A_279 = arith.constant 0 : i32
    %dma_start3A_280 = arith.constant 0 : i32
    %dma_start3A_281 = tpu.memref_slice %arg3[%dma_start3A_279, %dma_start3A_280] : memref<262144x128xi32, #tpu.memory_space<hbm>> -> memref<262144x128xi32, #tpu.memory_space<hbm>>
    tpu.enqueue_indirect_dma source(%dma_start3A_281 : memref<262144x128xi32, #tpu.memory_space<hbm>>) target(%dma_start3A_278 : memref<128x128xi32, #tpu.memory_space<vmem>>) offsets(%arg6 : memref<128xi32, #tpu.memory_space<vmem>>) semaphore(%arg9 : memref<!tpu.dma_semaphore, #tpu.memory_space<semaphore_mem>>)
    %dma_wait3A_282 = arith.constant 0 : i32
    %dma_wait3A_283 = arith.constant 0 : i32
    %dma_wait3A_284 = tpu.memref_slice %arg8[%dma_wait3A_282, %dma_wait3A_283] : memref<256x128xi32, #tpu.memory_space<vmem>> -> memref<128x128xi32, #tpu.memory_space<vmem>>
    %dma_wait3A_285 = arith.constant 0 : i32
    %dma_wait3A_286 = arith.constant 0 : i32
    %dma_wait3A_287 = tpu.memref_slice %arg3[%dma_wait3A_285, %dma_wait3A_286] : memref<262144x128xi32, #tpu.memory_space<hbm>> -> memref<262144x128xi32, #tpu.memory_space<hbm>>
    tpu.wait_indirect_dma semaphore(%arg9 : memref<!tpu.dma_semaphore, #tpu.memory_space<semaphore_mem>>) src(%dma_wait3A_287 : memref<262144x128xi32, #tpu.memory_space<hbm>>) dst(%dma_wait3A_284 : memref<128x128xi32, #tpu.memory_space<vmem>>)
    %dma_start3A_288 = arith.constant 128 : i32
    %dma_start3A_289 = arith.constant 0 : i32
    %dma_start3A_290 = tpu.memref_slice %arg8[%dma_start3A_288, %dma_start3A_289] : memref<256x128xi32, #tpu.memory_space<vmem>> -> memref<128x128xi32, #tpu.memory_space<vmem>>
    %dma_start3A_291 = arith.constant 0 : i32
    %dma_start3A_292 = arith.constant 0 : i32
    %dma_start3A_293 = tpu.memref_slice %arg3[%dma_start3A_291, %dma_start3A_292] : memref<262144x128xi32, #tpu.memory_space<hbm>> -> memref<262144x128xi32, #tpu.memory_space<hbm>>
    tpu.enqueue_indirect_dma source(%dma_start3A_293 : memref<262144x128xi32, #tpu.memory_space<hbm>>) target(%dma_start3A_290 : memref<128x128xi32, #tpu.memory_space<vmem>>) offsets(%arg7 : memref<128xi32, #tpu.memory_space<vmem>>) semaphore(%arg9 : memref<!tpu.dma_semaphore, #tpu.memory_space<semaphore_mem>>)
    %dma_wait3A_294 = arith.constant 128 : i32
    %dma_wait3A_295 = arith.constant 0 : i32
    %dma_wait3A_296 = tpu.memref_slice %arg8[%dma_wait3A_294, %dma_wait3A_295] : memref<256x128xi32, #tpu.memory_space<vmem>> -> memref<128x128xi32, #tpu.memory_space<vmem>>
    %dma_wait3A_297 = arith.constant 0 : i32
    %dma_wait3A_298 = arith.constant 0 : i32
    %dma_wait3A_299 = tpu.memref_slice %arg3[%dma_wait3A_297, %dma_wait3A_298] : memref<262144x128xi32, #tpu.memory_space<hbm>> -> memref<262144x128xi32, #tpu.memory_space<hbm>>
    tpu.wait_indirect_dma semaphore(%arg9 : memref<!tpu.dma_semaphore, #tpu.memory_space<semaphore_mem>>) src(%dma_wait3A_299 : memref<262144x128xi32, #tpu.memory_space<hbm>>) dst(%dma_wait3A_296 : memref<128x128xi32, #tpu.memory_space<vmem>>)
    %mul3A_300 = arith.constant 256 : i32
    %mul3A_301 = arith.muli %add3A_267, %mul3A_300 : i32
    "tpu.region"() ({
      %run_scoped3A = tpu.sem_alloc : memref<!tpu.dma_semaphore, #tpu.memory_space<semaphore_mem>>
      %dma_start3A_302 = arith.constant 0 : i32
      %dma_start3A_303 = tpu.memref_slice %arg4[%mul3A_301, %dma_start3A_302] : memref<65536x128xi32, #tpu.memory_space<hbm>> -> memref<256x128xi32, #tpu.memory_space<hbm>>
      %dma_start3A_304 = arith.constant 0 : i32
      %dma_start3A_305 = tpu.memref_slice %arg4[%mul3A_301, %dma_start3A_304] : memref<65536x128xi32, #tpu.memory_space<hbm>> -> memref<256x128xi32, #tpu.memory_space<hbm>>
      tpu.enqueue_dma source(%arg8 : memref<256x128xi32, #tpu.memory_space<vmem>>) target(%dma_start3A_305 : memref<256x128xi32, #tpu.memory_space<hbm>>) target_semaphore(%run_scoped3A : memref<!tpu.dma_semaphore, #tpu.memory_space<semaphore_mem>>)
      %dma_wait3A_306 = arith.constant 0 : i32
      %dma_wait3A_307 = tpu.memref_slice %arg4[%mul3A_301, %dma_wait3A_306] : memref<65536x128xi32, #tpu.memory_space<hbm>> -> memref<256x128xi32, #tpu.memory_space<hbm>>
      %dma_wait3A_308 = arith.constant 0 : i32
      %dma_wait3A_309 = tpu.memref_slice %arg4[%mul3A_301, %dma_wait3A_308] : memref<65536x128xi32, #tpu.memory_space<hbm>> -> memref<256x128xi32, #tpu.memory_space<hbm>>
      tpu.wait_dma2 semaphore(%run_scoped3A : memref<!tpu.dma_semaphore, #tpu.memory_space<semaphore_mem>>) src(%arg8 : memref<256x128xi32, #tpu.memory_space<vmem>>) dst(%dma_wait3A_309 : memref<256x128xi32, #tpu.memory_space<hbm>>)
      tpu.yield
    }) : () -> ()
    return
  }
}

module attributes {stable_mosaic.version = 14 : i64} {
  func.func @body(%arg0: i32, %arg1: memref<256x128xf32, #tpu.memory_space<vmem>>, %arg2: memref<256x128xf32, #tpu.memory_space<vmem>>, %arg3: memref<256x1xi32, #tpu.memory_space<vmem>>, %arg4: memref<1x256xi32, #tpu.memory_space<vmem>>, %arg5: memref<2048x128xf32, #tpu.memory_space<vmem>>, %arg6: memref<16x256x128xi32, #tpu.memory_space<vmem>>, %arg7: memref<256x1024xi32, #tpu.memory_space<vmem>>, %arg8: memref<256x1xi32, #tpu.memory_space<vmem>>, %arg9: memref<256x1xf32, #tpu.memory_space<vmem>>, %arg10: memref<256x128xf32, #tpu.memory_space<vmem>>, %arg11: memref<256x64x16xi32, #tpu.memory_space<vmem>>) attributes {dimension_semantics = [#tpu.dimension_semantics<arbitrary>], iteration_bounds = array<i64: 64>, scalar_prefetch = 0 : i64, scratch_operands = 2 : i64, tpu.core_type = #tpu.core_type<tc>, window_params = [{pipeline_mode = #tpu.pipeline_mode<synchronous>, transform_indices = @transform_0, window_bounds = array<i64: 256, 128>}, {pipeline_mode = #tpu.pipeline_mode<synchronous>, transform_indices = @transform_1, window_bounds = array<i64: 256, 128>}, {pipeline_mode = #tpu.pipeline_mode<synchronous>, transform_indices = @transform_2, window_bounds = array<i64: 256, 1>}, {pipeline_mode = #tpu.pipeline_mode<synchronous>, transform_indices = @transform_3, window_bounds = array<i64: 1, 256>}, {transform_indices = @transform_4, window_bounds = array<i64: 2048, 128>}, {transform_indices = @transform_5, window_bounds = array<i64: 16, 256, 128>}, {pipeline_mode = #tpu.pipeline_mode<synchronous>, transform_indices = @transform_6, window_bounds = array<i64: 256, 1024>}, {pipeline_mode = #tpu.pipeline_mode<synchronous>, transform_indices = @transform_7, window_bounds = array<i64: 256, 1>}, {pipeline_mode = #tpu.pipeline_mode<synchronous>, transform_indices = @transform_8, window_bounds = array<i64: 256, 1>}]} {
    %eq3A = arith.constant 0 : i32
    %eq3A_0 = arith.cmpi eq, %arg0, %eq3A : i32
    %convert_element_type3A = arith.extui %eq3A_0 : i1 to i32
    %cond3A = arith.constant 0 : i32
    %cond3A_1 = arith.cmpi ne, %convert_element_type3A, %cond3A : i32
    scf.if %cond3A_1 {
      %get3A_195 = arith.constant 0 : index
      %get3A_196 = arith.constant 0 : index
      %get3A_197 = vector.load %arg1[%get3A_195, %get3A_196] : memref<256x128xf32, #tpu.memory_space<vmem>>, vector<256x128xf32>
      %mul3A_198 = arith.mulf %get3A_197, %get3A_197 : vector<256x128xf32>
      %reduce_sum3A = arith.constant dense<0.000000e+00> : vector<256xf32>
      %reduce_sum3A_199 = vector.multi_reduction <add>, %mul3A_198, %reduce_sum3A [1] : vector<256x128xf32> to vector<256xf32>
      %broadcast_in_dim3A_200 = vector.shape_cast %reduce_sum3A_199 : vector<256xf32> to vector<256x1xf32>
      %sqrt3A = math.sqrt %broadcast_in_dim3A_200 : vector<256x1xf32>
      %add3A_201 = arith.constant 9.99999996E-13 : f32
      %add3A_202 = vector.broadcast %add3A_201 : f32 to vector<256x1xf32>
      %add3A_203 = arith.addf %sqrt3A, %add3A_202 : vector<256x1xf32>
      %div3A = vector.broadcast %add3A_203 : vector<256x1xf32> to vector<256x128xf32>
      %div3A_204 = arith.divf %get3A_197, %div3A : vector<256x128xf32>
      %swap3A_205 = arith.constant 0 : index
      %swap3A_206 = arith.constant 0 : index
      %swap3A_207 = vector.load %arg10[%swap3A_205, %swap3A_206] : memref<256x128xf32, #tpu.memory_space<vmem>>, vector<256x128xf32>
      tpu.vector_store %arg10[%swap3A_205, %swap3A_206], %div3A_204 {strides = array<i32>} : memref<256x128xf32, #tpu.memory_space<vmem>>, vector<256x128xf32>,
      %get3A_208 = arith.constant 0 : index
      %get3A_209 = arith.constant 0 : index
      %get3A_210 = vector.load %arg2[%get3A_208, %get3A_209] : memref<256x128xf32, #tpu.memory_space<vmem>>, vector<256x128xf32>
      %mul3A_211 = arith.mulf %get3A_210, %get3A_210 : vector<256x128xf32>
      %reduce_sum3A_212 = arith.constant dense<0.000000e+00> : vector<256xf32>
      %reduce_sum3A_213 = vector.multi_reduction <add>, %mul3A_211, %reduce_sum3A_212 [1] : vector<256x128xf32> to vector<256xf32>
      %broadcast_in_dim3A_214 = vector.shape_cast %reduce_sum3A_213 : vector<256xf32> to vector<256x1xf32>
      %sqrt3A_215 = math.sqrt %broadcast_in_dim3A_214 : vector<256x1xf32>
      %add3A_216 = arith.constant 9.99999996E-13 : f32
      %add3A_217 = vector.broadcast %add3A_216 : f32 to vector<256x1xf32>
      %add3A_218 = arith.addf %sqrt3A_215, %add3A_217 : vector<256x1xf32>
      %div3A_219 = vector.broadcast %add3A_218 : vector<256x1xf32> to vector<256x128xf32>
      %div3A_220 = arith.divf %get3A_210, %div3A_219 : vector<256x128xf32>
      %dot_general3A_221 = arith.constant dense<0.000000e+00> : vector<256x256xf32>
      %dot_general3A_222 = tpu.matmul %div3A_204, %div3A_220, %dot_general3A_221 {dimension_numbers = #tpu.dot_dimension_numbers<[1], [1], [0], [0], [0, 0, 1, 0], [], []>, transpose_lhs_hint = false} : vector<256x128xf32>, vector<256x128xf32>, vector<256x256xf32> -> vector<256x256xf32>
      %mul3A_223 = arith.constant 2.000000e+01 : f32
      %mul3A_224 = vector.broadcast %mul3A_223 : f32 to vector<256x256xf32>
      %mul3A_225 = arith.mulf %dot_general3A_222, %mul3A_224 : vector<256x256xf32>
      %exp3A = math.exp %mul3A_225 : vector<256x256xf32>
      %get3A_226 = arith.constant 0 : index
      %get3A_227 = arith.constant 0 : index
      %get3A_228 = vector.load %arg3[%get3A_226, %get3A_227] : memref<256x1xi32, #tpu.memory_space<vmem>>, vector<256x1xi32>
      %get3A_229 = arith.constant 0 : index
      %get3A_230 = arith.constant 0 : index
      %get3A_231 = vector.load %arg4[%get3A_229, %get3A_230] : memref<1x256xi32, #tpu.memory_space<vmem>>, vector<1x256xi32>
      %eq3A_232 = vector.broadcast %get3A_228 : vector<256x1xi32> to vector<256x256xi32>
      %eq3A_233 = vector.broadcast %get3A_231 : vector<1x256xi32> to vector<256x256xi32>
      %eq3A_234 = arith.cmpi eq, %eq3A_232, %eq3A_233 : vector<256x256xi32>
      %jit3A_235 = arith.constant 0x7F800000 : f32
      %broadcast_in_dim3A_236 = vector.broadcast %jit3A_235 : f32 to vector<256x256xf32>
      %select_n3A_237 = arith.select %eq3A_234, %exp3A, %broadcast_in_dim3A_236 : vector<256x256xi1>, vector<256x256xf32>
      %reduce_min3A = arith.constant dense<0x7F800000> : vector<256xf32>
      %reduce_min3A_238 = vector.multi_reduction <minimumf>, %select_n3A_237, %reduce_min3A [1] : vector<256x256xf32> to vector<256xf32>
      %broadcast_in_dim3A_239 = vector.shape_cast %reduce_min3A_238 : vector<256xf32> to vector<256x1xf32>
      %swap3A_240 = arith.constant 0 : index
      %swap3A_241 = arith.constant 0 : index
      %swap3A_242 = vector.load %arg9[%swap3A_240, %swap3A_241] : memref<256x1xf32, #tpu.memory_space<vmem>>, vector<256x1xf32>
      tpu.vector_store %arg9[%swap3A_240, %swap3A_241], %broadcast_in_dim3A_239 {strides = array<i32>} : memref<256x1xf32, #tpu.memory_space<vmem>>, vector<256x1xf32>,
    } else {
    }
    %get3A = arith.constant 0 : index
    %get3A_2 = arith.constant 0 : index
    %get3A_3 = vector.load %arg10[%get3A, %get3A_2] : memref<256x128xf32, #tpu.memory_space<vmem>>, vector<256x128xf32>
    %get3A_4 = arith.constant 0 : index
    %get3A_5 = arith.constant 0 : index
    %get3A_6 = vector.load %arg5[%get3A_4, %get3A_5] : memref<2048x128xf32, #tpu.memory_space<vmem>>, vector<2048x128xf32>
    %dot_general3A = arith.constant dense<0.000000e+00> : vector<256x2048xf32>
    %dot_general3A_7 = tpu.matmul %get3A_3, %get3A_6, %dot_general3A {dimension_numbers = #tpu.dot_dimension_numbers<[1], [1], [0], [0], [0, 0, 1, 0], [], []>, transpose_lhs_hint = false} : vector<256x128xf32>, vector<2048x128xf32>, vector<256x2048xf32> -> vector<256x2048xf32>
    %bitcast_convert_type3A = tpu.bitcast %dot_general3A_7 : vector<256x2048xf32> -> vector<256x2048xi32>
    %ge3A = arith.constant 0 : i32
    %ge3A_8 = vector.broadcast %ge3A : i32 to vector<256x2048xi32>
    %ge3A_9 = arith.cmpi sge, %bitcast_convert_type3A, %ge3A_8 : vector<256x2048xi32>
    %xor3A = arith.constant 2147483647 : i32
    %xor3A_10 = vector.broadcast %xor3A : i32 to vector<256x2048xi32>
    %xor3A_11 = arith.xori %bitcast_convert_type3A, %xor3A_10 : vector<256x2048xi32>
    %select_n3A = arith.select %ge3A_9, %bitcast_convert_type3A, %xor3A_11 : vector<256x2048xi1>, vector<256x2048xi32>
    %iota3A = tpu.iota {dimensions = array<i32: 1>} : vector<256x2048xi32>
    %mul3A = arith.constant 2048 : i32
    %mul3A_12 = arith.muli %arg0, %mul3A : i32
    %add3A = vector.broadcast %mul3A_12 : i32 to vector<256x2048xi32>
    %add3A_13 = arith.addi %iota3A, %add3A : vector<256x2048xi32>
    %get3A_14 = arith.constant 0 : index
    %get3A_15 = arith.constant 0 : index
    %get3A_16 = vector.load %arg3[%get3A_14, %get3A_15] : memref<256x1xi32, #tpu.memory_space<vmem>>, vector<256x1xi32>
    %mul3A_17 = arith.constant 16 : i32
    %mul3A_18 = vector.broadcast %mul3A_17 : i32 to vector<256x1xi32>
    %mul3A_19 = arith.muli %get3A_16, %mul3A_18 : vector<256x1xi32>
    %ge3A_20 = vector.broadcast %mul3A_19 : vector<256x1xi32> to vector<256x2048xi32>
    %ge3A_21 = arith.cmpi sge, %add3A_13, %ge3A_20 : vector<256x2048xi32>
    %add3A_22 = arith.constant 16 : i32
    %add3A_23 = vector.broadcast %add3A_22 : i32 to vector<256x1xi32>
    %add3A_24 = arith.addi %mul3A_19, %add3A_23 : vector<256x1xi32>
    %lt3A = vector.broadcast %add3A_24 : vector<256x1xi32> to vector<256x2048xi32>
    %lt3A_25 = arith.cmpi slt, %add3A_13, %lt3A : vector<256x2048xi32>
    %and3A = arith.andi %ge3A_21, %lt3A_25 : vector<256x2048xi1>
    %jit3A = arith.constant -1073741825 : i32
    %broadcast_in_dim3A = vector.broadcast %jit3A : i32 to vector<256x2048xi32>
    %select_n3A_26 = arith.select %and3A, %broadcast_in_dim3A, %select_n3A : vector<256x2048xi1>, vector<256x2048xi32>
    %slice3A = vector.extract_strided_slice %select_n3A_26 {offsets = [0, 0], sizes = [256, 128], strides = [1, 1]} : vector<256x2048xi32> to vector<256x128xi32>
    %swap3A = arith.constant 0 : index
    %swap3A_27 = arith.constant 0 : index
    %swap3A_28 = arith.constant 0 : index
    %swap3A_29 = vector.load %arg6[%swap3A, %swap3A_27, %swap3A_28] : memref<16x256x128xi32, #tpu.memory_space<vmem>>, vector<1x256x128xi32>
    %swap3A_30 = vector.shape_cast %swap3A_29 : vector<1x256x128xi32> to vector<256x128xi32>
    %swap3A_31 = vector.shape_cast %slice3A : vector<256x128xi32> to vector<1x256x128xi32>
    tpu.vector_store %arg6[%swap3A, %swap3A_27, %swap3A_28], %swap3A_31 {strides = array<i32>} : memref<16x256x128xi32, #tpu.memory_space<vmem>>, vector<1x256x128xi32>,
    %reduce_max3A = arith.constant dense<-2147483648> : vector<256xi32>
    %reduce_max3A_32 = vector.multi_reduction <maxsi>, %slice3A, %reduce_max3A [1] : vector<256x128xi32> to vector<256xi32>
    %broadcast_in_dim3A_33 = vector.shape_cast %reduce_max3A_32 : vector<256xi32> to vector<256x1xi32>
    %slice3A_34 = vector.extract_strided_slice %select_n3A_26 {offsets = [0, 128], sizes = [256, 128], strides = [1, 1]} : vector<256x2048xi32> to vector<256x128xi32>
    %swap3A_35 = arith.constant 1 : index
    %swap3A_36 = arith.constant 0 : index
    %swap3A_37 = arith.constant 0 : index
    %swap3A_38 = vector.load %arg6[%swap3A_35, %swap3A_36, %swap3A_37] : memref<16x256x128xi32, #tpu.memory_space<vmem>>, vector<1x256x128xi32>
    %swap3A_39 = vector.shape_cast %swap3A_38 : vector<1x256x128xi32> to vector<256x128xi32>
    %swap3A_40 = vector.shape_cast %slice3A_34 : vector<256x128xi32> to vector<1x256x128xi32>
    tpu.vector_store %arg6[%swap3A_35, %swap3A_36, %swap3A_37], %swap3A_40 {strides = array<i32>} : memref<16x256x128xi32, #tpu.memory_space<vmem>>, vector<1x256x128xi32>,
    %reduce_max3A_41 = arith.constant dense<-2147483648> : vector<256xi32>
    %reduce_max3A_42 = vector.multi_reduction <maxsi>, %slice3A_34, %reduce_max3A_41 [1] : vector<256x128xi32> to vector<256xi32>
    %broadcast_in_dim3A_43 = vector.shape_cast %reduce_max3A_42 : vector<256xi32> to vector<256x1xi32>
    %slice3A_44 = vector.extract_strided_slice %select_n3A_26 {offsets = [0, 256], sizes = [256, 128], strides = [1, 1]} : vector<256x2048xi32> to vector<256x128xi32>
    %swap3A_45 = arith.constant 2 : index
    %swap3A_46 = arith.constant 0 : index
    %swap3A_47 = arith.constant 0 : index
    %swap3A_48 = vector.load %arg6[%swap3A_45, %swap3A_46, %swap3A_47] : memref<16x256x128xi32, #tpu.memory_space<vmem>>, vector<1x256x128xi32>
    %swap3A_49 = vector.shape_cast %swap3A_48 : vector<1x256x128xi32> to vector<256x128xi32>
    %swap3A_50 = vector.shape_cast %slice3A_44 : vector<256x128xi32> to vector<1x256x128xi32>
    tpu.vector_store %arg6[%swap3A_45, %swap3A_46, %swap3A_47], %swap3A_50 {strides = array<i32>} : memref<16x256x128xi32, #tpu.memory_space<vmem>>, vector<1x256x128xi32>,
    %reduce_max3A_51 = arith.constant dense<-2147483648> : vector<256xi32>
    %reduce_max3A_52 = vector.multi_reduction <maxsi>, %slice3A_44, %reduce_max3A_51 [1] : vector<256x128xi32> to vector<256xi32>
    %broadcast_in_dim3A_53 = vector.shape_cast %reduce_max3A_52 : vector<256xi32> to vector<256x1xi32>
    %slice3A_54 = vector.extract_strided_slice %select_n3A_26 {offsets = [0, 384], sizes = [256, 128], strides = [1, 1]} : vector<256x2048xi32> to vector<256x128xi32>
    %swap3A_55 = arith.constant 3 : index
    %swap3A_56 = arith.constant 0 : index
    %swap3A_57 = arith.constant 0 : index
    %swap3A_58 = vector.load %arg6[%swap3A_55, %swap3A_56, %swap3A_57] : memref<16x256x128xi32, #tpu.memory_space<vmem>>, vector<1x256x128xi32>
    %swap3A_59 = vector.shape_cast %swap3A_58 : vector<1x256x128xi32> to vector<256x128xi32>
    %swap3A_60 = vector.shape_cast %slice3A_54 : vector<256x128xi32> to vector<1x256x128xi32>
    tpu.vector_store %arg6[%swap3A_55, %swap3A_56, %swap3A_57], %swap3A_60 {strides = array<i32>} : memref<16x256x128xi32, #tpu.memory_space<vmem>>, vector<1x256x128xi32>,
    %reduce_max3A_61 = arith.constant dense<-2147483648> : vector<256xi32>
    %reduce_max3A_62 = vector.multi_reduction <maxsi>, %slice3A_54, %reduce_max3A_61 [1] : vector<256x128xi32> to vector<256xi32>
    %broadcast_in_dim3A_63 = vector.shape_cast %reduce_max3A_62 : vector<256xi32> to vector<256x1xi32>
    %slice3A_64 = vector.extract_strided_slice %select_n3A_26 {offsets = [0, 512], sizes = [256, 128], strides = [1, 1]} : vector<256x2048xi32> to vector<256x128xi32>
    %swap3A_65 = arith.constant 4 : index
    %swap3A_66 = arith.constant 0 : index
    %swap3A_67 = arith.constant 0 : index
    %swap3A_68 = vector.load %arg6[%swap3A_65, %swap3A_66, %swap3A_67] : memref<16x256x128xi32, #tpu.memory_space<vmem>>, vector<1x256x128xi32>
    %swap3A_69 = vector.shape_cast %swap3A_68 : vector<1x256x128xi32> to vector<256x128xi32>
    %swap3A_70 = vector.shape_cast %slice3A_64 : vector<256x128xi32> to vector<1x256x128xi32>
    tpu.vector_store %arg6[%swap3A_65, %swap3A_66, %swap3A_67], %swap3A_70 {strides = array<i32>} : memref<16x256x128xi32, #tpu.memory_space<vmem>>, vector<1x256x128xi32>,
    %reduce_max3A_71 = arith.constant dense<-2147483648> : vector<256xi32>
    %reduce_max3A_72 = vector.multi_reduction <maxsi>, %slice3A_64, %reduce_max3A_71 [1] : vector<256x128xi32> to vector<256xi32>
    %broadcast_in_dim3A_73 = vector.shape_cast %reduce_max3A_72 : vector<256xi32> to vector<256x1xi32>
    %slice3A_74 = vector.extract_strided_slice %select_n3A_26 {offsets = [0, 640], sizes = [256, 128], strides = [1, 1]} : vector<256x2048xi32> to vector<256x128xi32>
    %swap3A_75 = arith.constant 5 : index
    %swap3A_76 = arith.constant 0 : index
    %swap3A_77 = arith.constant 0 : index
    %swap3A_78 = vector.load %arg6[%swap3A_75, %swap3A_76, %swap3A_77] : memref<16x256x128xi32, #tpu.memory_space<vmem>>, vector<1x256x128xi32>
    %swap3A_79 = vector.shape_cast %swap3A_78 : vector<1x256x128xi32> to vector<256x128xi32>
    %swap3A_80 = vector.shape_cast %slice3A_74 : vector<256x128xi32> to vector<1x256x128xi32>
    tpu.vector_store %arg6[%swap3A_75, %swap3A_76, %swap3A_77], %swap3A_80 {strides = array<i32>} : memref<16x256x128xi32, #tpu.memory_space<vmem>>, vector<1x256x128xi32>,
    %reduce_max3A_81 = arith.constant dense<-2147483648> : vector<256xi32>
    %reduce_max3A_82 = vector.multi_reduction <maxsi>, %slice3A_74, %reduce_max3A_81 [1] : vector<256x128xi32> to vector<256xi32>
    %broadcast_in_dim3A_83 = vector.shape_cast %reduce_max3A_82 : vector<256xi32> to vector<256x1xi32>
    %slice3A_84 = vector.extract_strided_slice %select_n3A_26 {offsets = [0, 768], sizes = [256, 128], strides = [1, 1]} : vector<256x2048xi32> to vector<256x128xi32>
    %swap3A_85 = arith.constant 6 : index
    %swap3A_86 = arith.constant 0 : index
    %swap3A_87 = arith.constant 0 : index
    %swap3A_88 = vector.load %arg6[%swap3A_85, %swap3A_86, %swap3A_87] : memref<16x256x128xi32, #tpu.memory_space<vmem>>, vector<1x256x128xi32>
    %swap3A_89 = vector.shape_cast %swap3A_88 : vector<1x256x128xi32> to vector<256x128xi32>
    %swap3A_90 = vector.shape_cast %slice3A_84 : vector<256x128xi32> to vector<1x256x128xi32>
    tpu.vector_store %arg6[%swap3A_85, %swap3A_86, %swap3A_87], %swap3A_90 {strides = array<i32>} : memref<16x256x128xi32, #tpu.memory_space<vmem>>, vector<1x256x128xi32>,
    %reduce_max3A_91 = arith.constant dense<-2147483648> : vector<256xi32>
    %reduce_max3A_92 = vector.multi_reduction <maxsi>, %slice3A_84, %reduce_max3A_91 [1] : vector<256x128xi32> to vector<256xi32>
    %broadcast_in_dim3A_93 = vector.shape_cast %reduce_max3A_92 : vector<256xi32> to vector<256x1xi32>
    %slice3A_94 = vector.extract_strided_slice %select_n3A_26 {offsets = [0, 896], sizes = [256, 128], strides = [1, 1]} : vector<256x2048xi32> to vector<256x128xi32>
    %swap3A_95 = arith.constant 7 : index
    %swap3A_96 = arith.constant 0 : index
    %swap3A_97 = arith.constant 0 : index
    %swap3A_98 = vector.load %arg6[%swap3A_95, %swap3A_96, %swap3A_97] : memref<16x256x128xi32, #tpu.memory_space<vmem>>, vector<1x256x128xi32>
    %swap3A_99 = vector.shape_cast %swap3A_98 : vector<1x256x128xi32> to vector<256x128xi32>
    %swap3A_100 = vector.shape_cast %slice3A_94 : vector<256x128xi32> to vector<1x256x128xi32>
    tpu.vector_store %arg6[%swap3A_95, %swap3A_96, %swap3A_97], %swap3A_100 {strides = array<i32>} : memref<16x256x128xi32, #tpu.memory_space<vmem>>, vector<1x256x128xi32>,
    %reduce_max3A_101 = arith.constant dense<-2147483648> : vector<256xi32>
    %reduce_max3A_102 = vector.multi_reduction <maxsi>, %slice3A_94, %reduce_max3A_101 [1] : vector<256x128xi32> to vector<256xi32>
    %broadcast_in_dim3A_103 = vector.shape_cast %reduce_max3A_102 : vector<256xi32> to vector<256x1xi32>
    %slice3A_104 = vector.extract_strided_slice %select_n3A_26 {offsets = [0, 1024], sizes = [256, 128], strides = [1, 1]} : vector<256x2048xi32> to vector<256x128xi32>
    %swap3A_105 = arith.constant 8 : index
    %swap3A_106 = arith.constant 0 : index
    %swap3A_107 = arith.constant 0 : index
    %swap3A_108 = vector.load %arg6[%swap3A_105, %swap3A_106, %swap3A_107] : memref<16x256x128xi32, #tpu.memory_space<vmem>>, vector<1x256x128xi32>
    %swap3A_109 = vector.shape_cast %swap3A_108 : vector<1x256x128xi32> to vector<256x128xi32>
    %swap3A_110 = vector.shape_cast %slice3A_104 : vector<256x128xi32> to vector<1x256x128xi32>
    tpu.vector_store %arg6[%swap3A_105, %swap3A_106, %swap3A_107], %swap3A_110 {strides = array<i32>} : memref<16x256x128xi32, #tpu.memory_space<vmem>>, vector<1x256x128xi32>,
    %reduce_max3A_111 = arith.constant dense<-2147483648> : vector<256xi32>
    %reduce_max3A_112 = vector.multi_reduction <maxsi>, %slice3A_104, %reduce_max3A_111 [1] : vector<256x128xi32> to vector<256xi32>
    %broadcast_in_dim3A_113 = vector.shape_cast %reduce_max3A_112 : vector<256xi32> to vector<256x1xi32>
    %slice3A_114 = vector.extract_strided_slice %select_n3A_26 {offsets = [0, 1152], sizes = [256, 128], strides = [1, 1]} : vector<256x2048xi32> to vector<256x128xi32>
    %swap3A_115 = arith.constant 9 : index
    %swap3A_116 = arith.constant 0 : index
    %swap3A_117 = arith.constant 0 : index
    %swap3A_118 = vector.load %arg6[%swap3A_115, %swap3A_116, %swap3A_117] : memref<16x256x128xi32, #tpu.memory_space<vmem>>, vector<1x256x128xi32>
    %swap3A_119 = vector.shape_cast %swap3A_118 : vector<1x256x128xi32> to vector<256x128xi32>
    %swap3A_120 = vector.shape_cast %slice3A_114 : vector<256x128xi32> to vector<1x256x128xi32>
    tpu.vector_store %arg6[%swap3A_115, %swap3A_116, %swap3A_117], %swap3A_120 {strides = array<i32>} : memref<16x256x128xi32, #tpu.memory_space<vmem>>, vector<1x256x128xi32>,
    %reduce_max3A_121 = arith.constant dense<-2147483648> : vector<256xi32>
    %reduce_max3A_122 = vector.multi_reduction <maxsi>, %slice3A_114, %reduce_max3A_121 [1] : vector<256x128xi32> to vector<256xi32>
    %broadcast_in_dim3A_123 = vector.shape_cast %reduce_max3A_122 : vector<256xi32> to vector<256x1xi32>
    %slice3A_124 = vector.extract_strided_slice %select_n3A_26 {offsets = [0, 1280], sizes = [256, 128], strides = [1, 1]} : vector<256x2048xi32> to vector<256x128xi32>
    %swap3A_125 = arith.constant 10 : index
    %swap3A_126 = arith.constant 0 : index
    %swap3A_127 = arith.constant 0 : index
    %swap3A_128 = vector.load %arg6[%swap3A_125, %swap3A_126, %swap3A_127] : memref<16x256x128xi32, #tpu.memory_space<vmem>>, vector<1x256x128xi32>
    %swap3A_129 = vector.shape_cast %swap3A_128 : vector<1x256x128xi32> to vector<256x128xi32>
    %swap3A_130 = vector.shape_cast %slice3A_124 : vector<256x128xi32> to vector<1x256x128xi32>
    tpu.vector_store %arg6[%swap3A_125, %swap3A_126, %swap3A_127], %swap3A_130 {strides = array<i32>} : memref<16x256x128xi32, #tpu.memory_space<vmem>>, vector<1x256x128xi32>,
    %reduce_max3A_131 = arith.constant dense<-2147483648> : vector<256xi32>
    %reduce_max3A_132 = vector.multi_reduction <maxsi>, %slice3A_124, %reduce_max3A_131 [1] : vector<256x128xi32> to vector<256xi32>
    %broadcast_in_dim3A_133 = vector.shape_cast %reduce_max3A_132 : vector<256xi32> to vector<256x1xi32>
    %slice3A_134 = vector.extract_strided_slice %select_n3A_26 {offsets = [0, 1408], sizes = [256, 128], strides = [1, 1]} : vector<256x2048xi32> to vector<256x128xi32>
    %swap3A_135 = arith.constant 11 : index
    %swap3A_136 = arith.constant 0 : index
    %swap3A_137 = arith.constant 0 : index
    %swap3A_138 = vector.load %arg6[%swap3A_135, %swap3A_136, %swap3A_137] : memref<16x256x128xi32, #tpu.memory_space<vmem>>, vector<1x256x128xi32>
    %swap3A_139 = vector.shape_cast %swap3A_138 : vector<1x256x128xi32> to vector<256x128xi32>
    %swap3A_140 = vector.shape_cast %slice3A_134 : vector<256x128xi32> to vector<1x256x128xi32>
    tpu.vector_store %arg6[%swap3A_135, %swap3A_136, %swap3A_137], %swap3A_140 {strides = array<i32>} : memref<16x256x128xi32, #tpu.memory_space<vmem>>, vector<1x256x128xi32>,
    %reduce_max3A_141 = arith.constant dense<-2147483648> : vector<256xi32>
    %reduce_max3A_142 = vector.multi_reduction <maxsi>, %slice3A_134, %reduce_max3A_141 [1] : vector<256x128xi32> to vector<256xi32>
    %broadcast_in_dim3A_143 = vector.shape_cast %reduce_max3A_142 : vector<256xi32> to vector<256x1xi32>
    %slice3A_144 = vector.extract_strided_slice %select_n3A_26 {offsets = [0, 1536], sizes = [256, 128], strides = [1, 1]} : vector<256x2048xi32> to vector<256x128xi32>
    %swap3A_145 = arith.constant 12 : index
    %swap3A_146 = arith.constant 0 : index
    %swap3A_147 = arith.constant 0 : index
    %swap3A_148 = vector.load %arg6[%swap3A_145, %swap3A_146, %swap3A_147] : memref<16x256x128xi32, #tpu.memory_space<vmem>>, vector<1x256x128xi32>
    %swap3A_149 = vector.shape_cast %swap3A_148 : vector<1x256x128xi32> to vector<256x128xi32>
    %swap3A_150 = vector.shape_cast %slice3A_144 : vector<256x128xi32> to vector<1x256x128xi32>
    tpu.vector_store %arg6[%swap3A_145, %swap3A_146, %swap3A_147], %swap3A_150 {strides = array<i32>} : memref<16x256x128xi32, #tpu.memory_space<vmem>>, vector<1x256x128xi32>,
    %reduce_max3A_151 = arith.constant dense<-2147483648> : vector<256xi32>
    %reduce_max3A_152 = vector.multi_reduction <maxsi>, %slice3A_144, %reduce_max3A_151 [1] : vector<256x128xi32> to vector<256xi32>
    %broadcast_in_dim3A_153 = vector.shape_cast %reduce_max3A_152 : vector<256xi32> to vector<256x1xi32>
    %slice3A_154 = vector.extract_strided_slice %select_n3A_26 {offsets = [0, 1664], sizes = [256, 128], strides = [1, 1]} : vector<256x2048xi32> to vector<256x128xi32>
    %swap3A_155 = arith.constant 13 : index
    %swap3A_156 = arith.constant 0 : index
    %swap3A_157 = arith.constant 0 : index
    %swap3A_158 = vector.load %arg6[%swap3A_155, %swap3A_156, %swap3A_157] : memref<16x256x128xi32, #tpu.memory_space<vmem>>, vector<1x256x128xi32>
    %swap3A_159 = vector.shape_cast %swap3A_158 : vector<1x256x128xi32> to vector<256x128xi32>
    %swap3A_160 = vector.shape_cast %slice3A_154 : vector<256x128xi32> to vector<1x256x128xi32>
    tpu.vector_store %arg6[%swap3A_155, %swap3A_156, %swap3A_157], %swap3A_160 {strides = array<i32>} : memref<16x256x128xi32, #tpu.memory_space<vmem>>, vector<1x256x128xi32>,
    %reduce_max3A_161 = arith.constant dense<-2147483648> : vector<256xi32>
    %reduce_max3A_162 = vector.multi_reduction <maxsi>, %slice3A_154, %reduce_max3A_161 [1] : vector<256x128xi32> to vector<256xi32>
    %broadcast_in_dim3A_163 = vector.shape_cast %reduce_max3A_162 : vector<256xi32> to vector<256x1xi32>
    %slice3A_164 = vector.extract_strided_slice %select_n3A_26 {offsets = [0, 1792], sizes = [256, 128], strides = [1, 1]} : vector<256x2048xi32> to vector<256x128xi32>
    %swap3A_165 = arith.constant 14 : index
    %swap3A_166 = arith.constant 0 : index
    %swap3A_167 = arith.constant 0 : index
    %swap3A_168 = vector.load %arg6[%swap3A_165, %swap3A_166, %swap3A_167] : memref<16x256x128xi32, #tpu.memory_space<vmem>>, vector<1x256x128xi32>
    %swap3A_169 = vector.shape_cast %swap3A_168 : vector<1x256x128xi32> to vector<256x128xi32>
    %swap3A_170 = vector.shape_cast %slice3A_164 : vector<256x128xi32> to vector<1x256x128xi32>
    tpu.vector_store %arg6[%swap3A_165, %swap3A_166, %swap3A_167], %swap3A_170 {strides = array<i32>} : memref<16x256x128xi32, #tpu.memory_space<vmem>>, vector<1x256x128xi32>,
    %reduce_max3A_171 = arith.constant dense<-2147483648> : vector<256xi32>
    %reduce_max3A_172 = vector.multi_reduction <maxsi>, %slice3A_164, %reduce_max3A_171 [1] : vector<256x128xi32> to vector<256xi32>
    %broadcast_in_dim3A_173 = vector.shape_cast %reduce_max3A_172 : vector<256xi32> to vector<256x1xi32>
    %slice3A_174 = vector.extract_strided_slice %select_n3A_26 {offsets = [0, 1920], sizes = [256, 128], strides = [1, 1]} : vector<256x2048xi32> to vector<256x128xi32>
    %swap3A_175 = arith.constant 15 : index
    %swap3A_176 = arith.constant 0 : index
    %swap3A_177 = arith.constant 0 : index
    %swap3A_178 = vector.load %arg6[%swap3A_175, %swap3A_176, %swap3A_177] : memref<16x256x128xi32, #tpu.memory_space<vmem>>, vector<1x256x128xi32>
    %swap3A_179 = vector.shape_cast %swap3A_178 : vector<1x256x128xi32> to vector<256x128xi32>
    %swap3A_180 = vector.shape_cast %slice3A_174 : vector<256x128xi32> to vector<1x256x128xi32>
    tpu.vector_store %arg6[%swap3A_175, %swap3A_176, %swap3A_177], %swap3A_180 {strides = array<i32>} : memref<16x256x128xi32, #tpu.memory_space<vmem>>, vector<1x256x128xi32>,
    %reduce_max3A_181 = arith.constant dense<-2147483648> : vector<256xi32>
    %reduce_max3A_182 = vector.multi_reduction <maxsi>, %slice3A_174, %reduce_max3A_181 [1] : vector<256x128xi32> to vector<256xi32>
    %broadcast_in_dim3A_183 = vector.shape_cast %reduce_max3A_182 : vector<256xi32> to vector<256x1xi32>
    %concatenate3A = tpu.concatenate %broadcast_in_dim3A_33, %broadcast_in_dim3A_43, %broadcast_in_dim3A_53, %broadcast_in_dim3A_63, %broadcast_in_dim3A_73, %broadcast_in_dim3A_83, %broadcast_in_dim3A_93, %broadcast_in_dim3A_103, %broadcast_in_dim3A_113, %broadcast_in_dim3A_123, %broadcast_in_dim3A_133, %broadcast_in_dim3A_143, %broadcast_in_dim3A_153, %broadcast_in_dim3A_163, %broadcast_in_dim3A_173, %broadcast_in_dim3A_183 in 1 : vector<256x1xi32>, vector<256x1xi32>, vector<256x1xi32>, vector<256x1xi32>, vector<256x1xi32>, vector<256x1xi32>, vector<256x1xi32>, vector<256x1xi32>, vector<256x1xi32>, vector<256x1xi32>, vector<256x1xi32>, vector<256x1xi32>, vector<256x1xi32>, vector<256x1xi32>, vector<256x1xi32>, vector<256x1xi32> -> vector<256x16xi32>
    %swap3A_184 = arith.constant 0 : index
    %swap3A_185 = arith.index_cast %arg0 : i32 to index
    %swap3A_186 = arith.constant 0 : index
    %swap3A_187 = vector.load %arg11[%swap3A_184, %swap3A_185, %swap3A_186] : memref<256x64x16xi32, #tpu.memory_space<vmem>>, vector<256x1x16xi32>
    %swap3A_188 = vector.shape_cast %swap3A_187 : vector<256x1x16xi32> to vector<256x16xi32>
    %swap3A_189 = vector.shape_cast %concatenate3A : vector<256x16xi32> to vector<256x1x16xi32>
    tpu.vector_store %arg11[%swap3A_184, %swap3A_185, %swap3A_186], %swap3A_189 {strides = array<i32>} : memref<256x64x16xi32, #tpu.memory_space<vmem>>, vector<256x1x16xi32>,
    %eq3A_190 = arith.constant 63 : i32
    %eq3A_191 = arith.cmpi eq, %arg0, %eq3A_190 : i32
    %convert_element_type3A_192 = arith.extui %eq3A_191 : i1 to i32
    %cond3A_193 = arith.constant 0 : i32
    %cond3A_194 = arith.cmpi ne, %convert_element_type3A_192, %cond3A_193 : i32
    scf.if %cond3A_194 {
      %get3A_195 = arith.constant 0 : index
      %get3A_196 = arith.constant 0 : index
      %get3A_197 = arith.constant 0 : index
      %get3A_198 = vector.load %arg11[%get3A_195, %get3A_196, %get3A_197] : memref<256x64x16xi32, #tpu.memory_space<vmem>>, vector<256x64x16xi32>
      %reshape3A = vector.shape_cast %get3A_198 : vector<256x64x16xi32> to vector<256x1024xi32>
      %broadcast_in_dim3A_199 = arith.constant 1.000000e+00 : f32
      %broadcast_in_dim3A_200 = vector.broadcast %broadcast_in_dim3A_199 : f32 to vector<1024x1xf32>
      %reduce_min3A = arith.constant dense<2147483647> : vector<256xi32>
      %reduce_min3A_201 = vector.multi_reduction <minsi>, %reshape3A, %reduce_min3A [1] : vector<256x1024xi32> to vector<256xi32>
      %broadcast_in_dim3A_202 = vector.shape_cast %reduce_min3A_201 : vector<256xi32> to vector<256x1xi32>
      %reduce_max3A_203 = arith.constant dense<-2147483648> : vector<256xi32>
      %reduce_max3A_204 = vector.multi_reduction <maxsi>, %reshape3A, %reduce_max3A_203 [1] : vector<256x1024xi32> to vector<256xi32>
      %broadcast_in_dim3A_205 = vector.shape_cast %reduce_max3A_204 : vector<256xi32> to vector<256x1xi32>
      %add3A_206 = arith.constant 1 : i32
      %add3A_207 = vector.broadcast %add3A_206 : i32 to vector<256x1xi32>
      %add3A_208 = arith.addi %broadcast_in_dim3A_205, %add3A_207 : vector<256x1xi32>
      %while3A:2 = scf.while (%while3A_243 = %broadcast_in_dim3A_202, %while3A_244 = %add3A_208) : (vector<256x1xi32>, vector<256x1xi32>) -> (vector<256x1xi32>, vector<256x1xi32>) {
        %sub3A = arith.subi %while3A_244, %while3A_243 : vector<256x1xi32>
        %reduce_max3A_245 = vector.shape_cast %sub3A : vector<256x1xi32> to vector<1x256x1xi32>
        %reduce_max3A_246 = arith.constant dense<-2147483648> : vector<1xi32>
        %reduce_max3A_247 = vector.multi_reduction <maxsi>, %reduce_max3A_245, %reduce_max3A_246 [1, 2] : vector<1x256x1xi32> to vector<1xi32>
        %reduce_max3A_248 = vector.shape_cast %reduce_max3A_247 : vector<1xi32> to vector<1x1x1xi32>
        %reduce_max3A_249 = vector.extract %reduce_max3A_248[0, 0, 0] : i32 from vector<1x1x1xi32>
        %gt3A_250 = arith.constant 1 : i32
        %gt3A_251 = arith.cmpi sgt, %reduce_max3A_249, %gt3A_250 : i32
        scf.condition(%gt3A_251) %while3A_243, %while3A_244 : vector<256x1xi32>, vector<256x1xi32>
      } do {
      ^bb0(%while3A_243: vector<256x1xi32>, %while3A_244: vector<256x1xi32>):
        %sub3A = arith.subi %while3A_244, %while3A_243 : vector<256x1xi32>
        %jit3A_245 = arith.constant 2 : i32
        %div3A = vector.broadcast %jit3A_245 : i32 to vector<256x1xi32>
        %div3A_246 = arith.divsi %sub3A, %div3A : vector<256x1xi32>
        %sign3A = arith.constant 0 : i32
        %sign3A_247 = vector.broadcast %sign3A : i32 to vector<256x1xi32>
        %sign3A_248 = arith.cmpi sgt, %sub3A, %sign3A_247 : vector<256x1xi32>
        %sign3A_249 = arith.extui %sign3A_248 : vector<256x1xi1> to vector<256x1xi32>
        %sign3A_250 = arith.constant 0 : i32
        %sign3A_251 = vector.broadcast %sign3A_250 : i32 to vector<256x1xi32>
        %sign3A_252 = arith.cmpi slt, %sub3A, %sign3A_251 : vector<256x1xi32>
        %sign3A_253 = arith.extui %sign3A_252 : vector<256x1xi1> to vector<256x1xi32>
        %sign3A_254 = arith.subi %sign3A_249, %sign3A_253 : vector<256x1xi32>
        %sign3A_255 = arith.constant 0 : i32
        %sign3A_256 = arith.cmpi sgt, %jit3A_245, %sign3A_255 : i32
        %sign3A_257 = arith.extui %sign3A_256 : i1 to i32
        %sign3A_258 = arith.constant 0 : i32
        %sign3A_259 = arith.cmpi slt, %jit3A_245, %sign3A_258 : i32
        %sign3A_260 = arith.extui %sign3A_259 : i1 to i32
        %sign3A_261 = arith.subi %sign3A_257, %sign3A_260 : i32
        %ne3A = vector.broadcast %sign3A_261 : i32 to vector<256x1xi32>
        %ne3A_262 = arith.cmpi ne, %sign3A_254, %ne3A : vector<256x1xi32>
        %rem3A = vector.broadcast %jit3A_245 : i32 to vector<256x1xi32>
        %rem3A_263 = arith.remsi %sub3A, %rem3A : vector<256x1xi32>
        %ne3A_264 = arith.constant 0 : i32
        %ne3A_265 = vector.broadcast %ne3A_264 : i32 to vector<256x1xi32>
        %ne3A_266 = arith.cmpi ne, %rem3A_263, %ne3A_265 : vector<256x1xi32>
        %and3A_267 = arith.andi %ne3A_262, %ne3A_266 : vector<256x1xi1>
        %sub3A_268 = arith.constant 1 : i32
        %sub3A_269 = vector.broadcast %sub3A_268 : i32 to vector<256x1xi32>
        %sub3A_270 = arith.subi %div3A_246, %sub3A_269 : vector<256x1xi32>
        %select_n3A_271 = arith.select %and3A_267, %sub3A_270, %div3A_246 : vector<256x1xi1>, vector<256x1xi32>
        %add3A_272 = arith.addi %while3A_243, %select_n3A_271 : vector<256x1xi32>
        %ge3A_273 = vector.broadcast %add3A_272 : vector<256x1xi32> to vector<256x1024xi32>
        %ge3A_274 = arith.cmpi sge, %reshape3A, %ge3A_273 : vector<256x1024xi32>
        %convert_element_type3A_275 = arith.extui %ge3A_274 : vector<256x1024xi1> to vector<256x1024xi32>
        %convert_element_type3A_276 = arith.sitofp %convert_element_type3A_275 : vector<256x1024xi32> to vector<256x1024xf32>
        %dot_general3A_277 = arith.constant dense<0.000000e+00> : vector<256x1xf32>
        %dot_general3A_278 = tpu.matmul %convert_element_type3A_276, %broadcast_in_dim3A_200, %dot_general3A_277 {dimension_numbers = #tpu.dot_dimension_numbers<[1], [0], [0], [1], [0, 0, 1, 1], [], []>, transpose_lhs_hint = false} : vector<256x1024xf32>, vector<1024x1xf32>, vector<256x1xf32> -> vector<256x1xf32>
        %ge3A_279 = arith.constant 2.560000e+02 : f32
        %ge3A_280 = vector.broadcast %ge3A_279 : f32 to vector<256x1xf32>
        %ge3A_281 = arith.cmpf oge, %dot_general3A_278, %ge3A_280 : vector<256x1xf32>
        %select_n3A_282 = arith.select %ge3A_281, %add3A_272, %while3A_243 : vector<256x1xi1>, vector<256x1xi32>
        %select_n3A_283 = arith.select %ge3A_281, %while3A_244, %add3A_272 : vector<256x1xi1>, vector<256x1xi32>
        scf.yield %select_n3A_282, %select_n3A_283 : vector<256x1xi32>, vector<256x1xi32>
      }
      %swap3A_209 = arith.constant 0 : index
      %swap3A_210 = arith.constant 0 : index
      %swap3A_211 = vector.load %arg8[%swap3A_209, %swap3A_210] : memref<256x1xi32, #tpu.memory_space<vmem>>, vector<256x1xi32>
      tpu.vector_store %arg8[%swap3A_209, %swap3A_210], %while3A#0 {strides = array<i32>} : memref<256x1xi32, #tpu.memory_space<vmem>>, vector<256x1xi32>,
      %iota3A_212 = tpu.iota {dimensions = array<i32: 0>} : vector<1024x1024xi32>
      %iota3A_213 = tpu.iota {dimensions = array<i32: 1>} : vector<1024x1024xi32>
      %lt3A_214 = arith.cmpi slt, %iota3A_212, %iota3A_213 : vector<1024x1024xi32>
      %convert_element_type3A_215 = arith.extui %lt3A_214 : vector<1024x1024xi1> to vector<1024x1024xi32>
      %convert_element_type3A_216 = arith.sitofp %convert_element_type3A_215 : vector<1024x1024xi32> to vector<1024x1024xf32>
      %gt3A = vector.broadcast %while3A#0 : vector<256x1xi32> to vector<256x1024xi32>
      %gt3A_217 = arith.cmpi sgt, %reshape3A, %gt3A : vector<256x1024xi32>
      %eq3A_218 = vector.broadcast %while3A#0 : vector<256x1xi32> to vector<256x1024xi32>
      %eq3A_219 = arith.cmpi eq, %reshape3A, %eq3A_218 : vector<256x1024xi32>
      %convert_element_type3A_220 = arith.extui %gt3A_217 : vector<256x1024xi1> to vector<256x1024xi32>
      %convert_element_type3A_221 = arith.sitofp %convert_element_type3A_220 : vector<256x1024xi32> to vector<256x1024xf32>
      %convert_element_type3A_222 = arith.extui %eq3A_219 : vector<256x1024xi1> to vector<256x1024xi32>
      %convert_element_type3A_223 = arith.sitofp %convert_element_type3A_222 : vector<256x1024xi32> to vector<256x1024xf32>
      %concatenate3A_224 = tpu.concatenate %convert_element_type3A_221, %convert_element_type3A_223 in 0 : vector<256x1024xf32>, vector<256x1024xf32> -> vector<512x1024xf32>
      %dot_general3A_225 = arith.constant dense<0.000000e+00> : vector<512x1024xf32>
      %dot_general3A_226 = tpu.matmul %concatenate3A_224, %convert_element_type3A_216, %dot_general3A_225 {dimension_numbers = #tpu.dot_dimension_numbers<[1], [0], [0], [1], [0, 0, 1, 1], [], []>, transpose_lhs_hint = false} : vector<512x1024xf32>, vector<1024x1024xf32>, vector<512x1024xf32> -> vector<512x1024xf32>
      %dot_general3A_227 = arith.constant dense<0.000000e+00> : vector<256x1xf32>
      %dot_general3A_228 = tpu.matmul %convert_element_type3A_221, %broadcast_in_dim3A_200, %dot_general3A_227 {dimension_numbers = #tpu.dot_dimension_numbers<[1], [0], [0], [1], [0, 0, 1, 1], [], []>, transpose_lhs_hint = false} : vector<256x1024xf32>, vector<1024x1xf32>, vector<256x1xf32> -> vector<256x1xf32>
      %slice3A_229 = vector.extract_strided_slice %dot_general3A_226 {offsets = [0, 0], sizes = [256, 1024], strides = [1, 1]} : vector<512x1024xf32> to vector<256x1024xf32>
      %convert_element_type3A_230 = arith.fptosi %slice3A_229 : vector<256x1024xf32> to vector<256x1024xi32>
      %convert_element_type3A_231 = arith.fptosi %dot_general3A_228 : vector<256x1xf32> to vector<256x1xi32>
      %slice3A_232 = vector.extract_strided_slice %dot_general3A_226 {offsets = [256, 0], sizes = [256, 1024], strides = [1, 1]} : vector<512x1024xf32> to vector<256x1024xf32>
      %convert_element_type3A_233 = arith.fptosi %slice3A_232 : vector<256x1024xf32> to vector<256x1024xi32>
      %add3A_234 = vector.broadcast %convert_element_type3A_231 : vector<256x1xi32> to vector<256x1024xi32>
      %add3A_235 = arith.addi %add3A_234, %convert_element_type3A_233 : vector<256x1024xi32>
      %jit3A_236 = arith.constant 1048576 : i32
      %broadcast_in_dim3A_237 = vector.broadcast %jit3A_236 : i32 to vector<256x1024xi32>
      %select_n3A_238 = arith.select %eq3A_219, %add3A_235, %broadcast_in_dim3A_237 : vector<256x1024xi1>, vector<256x1024xi32>
      %select_n3A_239 = arith.select %gt3A_217, %convert_element_type3A_230, %select_n3A_238 : vector<256x1024xi1>, vector<256x1024xi32>
      %swap3A_240 = arith.constant 0 : index
      %swap3A_241 = arith.constant 0 : index
      %swap3A_242 = vector.load %arg7[%swap3A_240, %swap3A_241] : memref<256x1024xi32, #tpu.memory_space<vmem>>, vector<256x1024xi32>
      tpu.vector_store %arg7[%swap3A_240, %swap3A_241], %select_n3A_239 {strides = array<i32>} : memref<256x1024xi32, #tpu.memory_space<vmem>>, vector<256x1024xi32>,
    } else {
    }
    return
  }
  func.func @transform_0(%arg0: i32) -> (i32, i32) {
    %c0_i32 = arith.constant 0 : i32
    %c0_i32_0 = arith.constant 0 : i32
    %c0_i32_1 = arith.constant 0 : i32
    return %c0_i32, %c0_i32_0 : i32, i32
  }
  func.func @transform_1(%arg0: i32) -> (i32, i32) {
    %c0_i32 = arith.constant 0 : i32
    %c0_i32_0 = arith.constant 0 : i32
    %c0_i32_1 = arith.constant 0 : i32
    return %c0_i32, %c0_i32_0 : i32, i32
  }
  func.func @transform_2(%arg0: i32) -> (i32, i32) {
    %c0_i32 = arith.constant 0 : i32
    %c0_i32_0 = arith.constant 0 : i32
    %c0_i32_1 = arith.constant 0 : i32
    return %c0_i32, %c0_i32_0 : i32, i32
  }
  func.func @transform_3(%arg0: i32) -> (i32, i32) {
    %c0_i32 = arith.constant 0 : i32
    %c0_i32_0 = arith.constant 0 : i32
    %c0_i32_1 = arith.constant 0 : i32
    return %c0_i32, %c0_i32_0 : i32, i32
  }
  func.func @transform_4(%arg0: i32) -> (i32, i32) {
    %c0_i32 = arith.constant 0 : i32
    %c0_i32_0 = arith.constant 0 : i32
    return %arg0, %c0_i32 : i32, i32
  }
  func.func @transform_5(%arg0: i32) -> (i32, i32, i32) {
    %c0_i32 = arith.constant 0 : i32
    %c0_i32_0 = arith.constant 0 : i32
    %c0_i32_1 = arith.constant 0 : i32
    return %arg0, %c0_i32, %c0_i32_0 : i32, i32, i32
  }
  func.func @transform_6(%arg0: i32) -> (i32, i32) {
    %c0_i32 = arith.constant 0 : i32
    %c0_i32_0 = arith.constant 0 : i32
    %c0_i32_1 = arith.constant 0 : i32
    return %c0_i32, %c0_i32_0 : i32, i32
  }
  func.func @transform_7(%arg0: i32) -> (i32, i32) {
    %c0_i32 = arith.constant 0 : i32
    %c0_i32_0 = arith.constant 0 : i32
    %c0_i32_1 = arith.constant 0 : i32
    return %c0_i32, %c0_i32_0 : i32, i32
  }
  func.func @transform_8(%arg0: i32) -> (i32, i32) {
    %c0_i32 = arith.constant 0 : i32
    %c0_i32_0 = arith.constant 0 : i32
    %c0_i32_1 = arith.constant 0 : i32
    return %c0_i32, %c0_i32_0 : i32, i32
  }
}

module attributes {stable_mosaic.version = 14 : i64} {
  func.func @body(%arg0: i32, %arg1: memref<32x256x128xi32, #tpu.memory_space<vmem>>, %arg2: memref<32x1xi32, #tpu.memory_space<vmem>>, %arg3: memref<32x1xf32, #tpu.memory_space<vmem>>, %arg4: memref<1x1xf32, #tpu.memory_space<vmem>>) attributes {dimension_semantics = [#tpu.dimension_semantics<arbitrary>], iteration_bounds = array<i64: 8>, scalar_prefetch = 0 : i64, scratch_operands = 0 : i64, tpu.core_type = #tpu.core_type<tc>, window_params = [{transform_indices = @transform_0, window_bounds = array<i64: 32, 256, 128>}, {transform_indices = @transform_1, window_bounds = array<i64: 32, 1>}, {transform_indices = @transform_2, window_bounds = array<i64: 32, 1>}, {pipeline_mode = #tpu.pipeline_mode<synchronous>, transform_indices = @transform_3, window_bounds = array<i64: 1, 1>}]} {
    %get3A = arith.constant 0 : index
    %get3A_0 = arith.constant 0 : index
    %get3A_1 = arith.constant 0 : index
    %get3A_2 = vector.load %arg1[%get3A, %get3A_0, %get3A_1] : memref<32x256x128xi32, #tpu.memory_space<vmem>>, vector<32x256x128xi32>
    %reshape3A = vector.shape_cast %get3A_2 : vector<32x256x128xi32> to vector<32x32768xi32>
    %broadcast_in_dim3A = arith.constant 1.000000e+00 : f32
    %broadcast_in_dim3A_3 = vector.broadcast %broadcast_in_dim3A : f32 to vector<32768x1xf32>
    %get3A_4 = arith.constant 0 : index
    %get3A_5 = arith.constant 0 : index
    %get3A_6 = vector.load %arg2[%get3A_4, %get3A_5] : memref<32x1xi32, #tpu.memory_space<vmem>>, vector<32x1xi32>
    %reduce_max3A = arith.constant dense<-2147483648> : vector<32xi32>
    %reduce_max3A_7 = vector.multi_reduction <maxsi>, %reshape3A, %reduce_max3A [1] : vector<32x32768xi32> to vector<32xi32>
    %broadcast_in_dim3A_8 = vector.shape_cast %reduce_max3A_7 : vector<32xi32> to vector<32x1xi32>
    %add3A = arith.constant 1 : i32
    %add3A_9 = vector.broadcast %add3A : i32 to vector<32x1xi32>
    %add3A_10 = arith.addi %broadcast_in_dim3A_8, %add3A_9 : vector<32x1xi32>
    %scan3A = arith.constant 0 : i32
    %scan3A_11 = arith.constant 31 : i32
    %scan3A_12 = arith.addi %scan3A, %scan3A_11 : i32
    %scan3A_13 = arith.constant 1 : i32
    %scan3A_14:2 = scf.for %scan3A_68 = %scan3A to %scan3A_12 step %scan3A_13 iter_args(%scan3A_69 = %get3A_6, %scan3A_70 = %add3A_10) -> (vector<32x1xi32>, vector<32x1xi32>)  : i32 {
      %sub3A_71 = arith.subi %scan3A_70, %scan3A_69 : vector<32x1xi32>
      %jit3A_72 = arith.constant 2 : i32
      %div3A_73 = vector.broadcast %jit3A_72 : i32 to vector<32x1xi32>
      %div3A_74 = arith.divsi %sub3A_71, %div3A_73 : vector<32x1xi32>
      %sign3A = arith.constant 0 : i32
      %sign3A_75 = vector.broadcast %sign3A : i32 to vector<32x1xi32>
      %sign3A_76 = arith.cmpi sgt, %sub3A_71, %sign3A_75 : vector<32x1xi32>
      %sign3A_77 = arith.extui %sign3A_76 : vector<32x1xi1> to vector<32x1xi32>
      %sign3A_78 = arith.constant 0 : i32
      %sign3A_79 = vector.broadcast %sign3A_78 : i32 to vector<32x1xi32>
      %sign3A_80 = arith.cmpi slt, %sub3A_71, %sign3A_79 : vector<32x1xi32>
      %sign3A_81 = arith.extui %sign3A_80 : vector<32x1xi1> to vector<32x1xi32>
      %sign3A_82 = arith.subi %sign3A_77, %sign3A_81 : vector<32x1xi32>
      %sign3A_83 = arith.constant 0 : i32
      %sign3A_84 = arith.cmpi sgt, %jit3A_72, %sign3A_83 : i32
      %sign3A_85 = arith.extui %sign3A_84 : i1 to i32
      %sign3A_86 = arith.constant 0 : i32
      %sign3A_87 = arith.cmpi slt, %jit3A_72, %sign3A_86 : i32
      %sign3A_88 = arith.extui %sign3A_87 : i1 to i32
      %sign3A_89 = arith.subi %sign3A_85, %sign3A_88 : i32
      %ne3A = vector.broadcast %sign3A_89 : i32 to vector<32x1xi32>
      %ne3A_90 = arith.cmpi ne, %sign3A_82, %ne3A : vector<32x1xi32>
      %rem3A = vector.broadcast %jit3A_72 : i32 to vector<32x1xi32>
      %rem3A_91 = arith.remsi %sub3A_71, %rem3A : vector<32x1xi32>
      %ne3A_92 = arith.constant 0 : i32
      %ne3A_93 = vector.broadcast %ne3A_92 : i32 to vector<32x1xi32>
      %ne3A_94 = arith.cmpi ne, %rem3A_91, %ne3A_93 : vector<32x1xi32>
      %and3A = arith.andi %ne3A_90, %ne3A_94 : vector<32x1xi1>
      %sub3A_95 = arith.constant 1 : i32
      %sub3A_96 = vector.broadcast %sub3A_95 : i32 to vector<32x1xi32>
      %sub3A_97 = arith.subi %div3A_74, %sub3A_96 : vector<32x1xi32>
      %select_n3A_98 = arith.select %and3A, %sub3A_97, %div3A_74 : vector<32x1xi1>, vector<32x1xi32>
      %add3A_99 = arith.addi %scan3A_69, %select_n3A_98 : vector<32x1xi32>
      %ge3A_100 = vector.broadcast %add3A_99 : vector<32x1xi32> to vector<32x32768xi32>
      %ge3A_101 = arith.cmpi sge, %reshape3A, %ge3A_100 : vector<32x32768xi32>
      %convert_element_type3A_102 = arith.extui %ge3A_101 : vector<32x32768xi1> to vector<32x32768xi32>
      %convert_element_type3A_103 = arith.sitofp %convert_element_type3A_102 : vector<32x32768xi32> to vector<32x32768xf32>
      %dot_general3A_104 = arith.constant dense<0.000000e+00> : vector<32x1xf32>
      %dot_general3A_105 = tpu.matmul %convert_element_type3A_103, %broadcast_in_dim3A_3, %dot_general3A_104 {dimension_numbers = #tpu.dot_dimension_numbers<[1], [0], [0], [1], [0, 0, 1, 1], [], []>, transpose_lhs_hint = false} : vector<32x32768xf32>, vector<32768x1xf32>, vector<32x1xf32> -> vector<32x1xf32>
      %ge3A_106 = arith.constant 2.560000e+02 : f32
      %ge3A_107 = vector.broadcast %ge3A_106 : f32 to vector<32x1xf32>
      %ge3A_108 = arith.cmpf oge, %dot_general3A_105, %ge3A_107 : vector<32x1xf32>
      %select_n3A_109 = arith.select %ge3A_108, %add3A_99, %scan3A_69 : vector<32x1xi1>, vector<32x1xi32>
      %select_n3A_110 = arith.select %ge3A_108, %scan3A_70, %add3A_99 : vector<32x1xi1>, vector<32x1xi32>
      scf.yield %select_n3A_109, %select_n3A_110 : vector<32x1xi32>, vector<32x1xi32>
    }
    %ge3A = arith.constant 0 : i32
    %ge3A_15 = vector.broadcast %ge3A : i32 to vector<32x1xi32>
    %ge3A_16 = arith.cmpi sge, %scan3A_14#0, %ge3A_15 : vector<32x1xi32>
    %xor3A = arith.constant 2147483647 : i32
    %xor3A_17 = vector.broadcast %xor3A : i32 to vector<32x1xi32>
    %xor3A_18 = arith.xori %scan3A_14#0, %xor3A_17 : vector<32x1xi32>
    %select_n3A = arith.select %ge3A_16, %scan3A_14#0, %xor3A_18 : vector<32x1xi1>, vector<32x1xi32>
    %bitcast_convert_type3A = tpu.bitcast %select_n3A : vector<32x1xi32> -> vector<32x1xf32>
    %mul3A = arith.constant 2.000000e+01 : f32
    %mul3A_19 = vector.broadcast %mul3A : f32 to vector<32x1xf32>
    %mul3A_20 = arith.mulf %bitcast_convert_type3A, %mul3A_19 : vector<32x1xf32>
    %exp3A = math.exp %mul3A_20 : vector<32x1xf32>
    %ge3A_21 = vector.broadcast %scan3A_14#0 : vector<32x1xi32> to vector<32x32768xi32>
    %ge3A_22 = arith.cmpi sge, %reshape3A, %ge3A_21 : vector<32x32768xi32>
    %ge3A_23 = arith.constant 0 : i32
    %ge3A_24 = vector.broadcast %ge3A_23 : i32 to vector<32x32768xi32>
    %ge3A_25 = arith.cmpi sge, %reshape3A, %ge3A_24 : vector<32x32768xi32>
    %xor3A_26 = arith.constant 2147483647 : i32
    %xor3A_27 = vector.broadcast %xor3A_26 : i32 to vector<32x32768xi32>
    %xor3A_28 = arith.xori %reshape3A, %xor3A_27 : vector<32x32768xi32>
    %select_n3A_29 = arith.select %ge3A_25, %reshape3A, %xor3A_28 : vector<32x32768xi1>, vector<32x32768xi32>
    %bitcast_convert_type3A_30 = tpu.bitcast %select_n3A_29 : vector<32x32768xi32> -> vector<32x32768xf32>
    %mul3A_31 = arith.constant 2.000000e+01 : f32
    %mul3A_32 = vector.broadcast %mul3A_31 : f32 to vector<32x32768xf32>
    %mul3A_33 = arith.mulf %bitcast_convert_type3A_30, %mul3A_32 : vector<32x32768xf32>
    %exp3A_34 = math.exp %mul3A_33 : vector<32x32768xf32>
    %jit3A = arith.constant 0.000000e+00 : f32
    %broadcast_in_dim3A_35 = vector.broadcast %jit3A : f32 to vector<32x32768xf32>
    %select_n3A_36 = arith.select %ge3A_22, %exp3A_34, %broadcast_in_dim3A_35 : vector<32x32768xi1>, vector<32x32768xf32>
    %convert_element_type3A = arith.extui %ge3A_22 : vector<32x32768xi1> to vector<32x32768xi32>
    %convert_element_type3A_37 = arith.sitofp %convert_element_type3A : vector<32x32768xi32> to vector<32x32768xf32>
    %concatenate3A = tpu.concatenate %convert_element_type3A_37, %select_n3A_36 in 0 : vector<32x32768xf32>, vector<32x32768xf32> -> vector<64x32768xf32>
    %dot_general3A = arith.constant dense<0.000000e+00> : vector<64x1xf32>
    %dot_general3A_38 = tpu.matmul %concatenate3A, %broadcast_in_dim3A_3, %dot_general3A {dimension_numbers = #tpu.dot_dimension_numbers<[1], [0], [0], [1], [0, 0, 1, 1], [], []>, transpose_lhs_hint = false} : vector<64x32768xf32>, vector<32768x1xf32>, vector<64x1xf32> -> vector<64x1xf32>
    %slice3A = vector.extract_strided_slice %dot_general3A_38 {offsets = [0, 0], sizes = [32, 1], strides = [1, 1]} : vector<64x1xf32> to vector<32x1xf32>
    %slice3A_39 = vector.extract_strided_slice %dot_general3A_38 {offsets = [32, 0], sizes = [32, 1], strides = [1, 1]} : vector<64x1xf32> to vector<32x1xf32>
    %sub3A = arith.constant 2.560000e+02 : f32
    %sub3A_40 = vector.broadcast %sub3A : f32 to vector<32x1xf32>
    %sub3A_41 = arith.subf %slice3A, %sub3A_40 : vector<32x1xf32>
    %mul3A_42 = arith.mulf %sub3A_41, %exp3A : vector<32x1xf32>
    %sub3A_43 = arith.subf %slice3A_39, %mul3A_42 : vector<32x1xf32>
    %get3A_44 = arith.constant 0 : index
    %get3A_45 = arith.constant 0 : index
    %get3A_46 = vector.load %arg3[%get3A_44, %get3A_45] : memref<32x1xf32, #tpu.memory_space<vmem>>, vector<32x1xf32>
    %add3A_47 = arith.addf %get3A_46, %sub3A_43 : vector<32x1xf32>
    %add3A_48 = arith.constant 9.99999997E-7 : f32
    %add3A_49 = vector.broadcast %add3A_48 : f32 to vector<32x1xf32>
    %add3A_50 = arith.addf %add3A_47, %add3A_49 : vector<32x1xf32>
    %div3A = arith.divf %get3A_46, %add3A_50 : vector<32x1xf32>
    %add3A_51 = arith.constant 9.99999997E-7 : f32
    %add3A_52 = vector.broadcast %add3A_51 : f32 to vector<32x1xf32>
    %add3A_53 = arith.addf %div3A, %add3A_52 : vector<32x1xf32>
    %log3A = math.log %add3A_53 : vector<32x1xf32>
    %neg3A = arith.constant 0.000000e+00 : f32
    %neg3A_54 = vector.broadcast %neg3A : f32 to vector<32x1xf32>
    %neg3A_55 = arith.subf %neg3A_54, %log3A : vector<32x1xf32>
    %reduce_sum3A = arith.constant dense<0.000000e+00> : vector<1xf32>
    %reduce_sum3A_56 = vector.multi_reduction <add>, %neg3A_55, %reduce_sum3A [0] : vector<32x1xf32> to vector<1xf32>
    %broadcast_in_dim3A_57 = vector.shape_cast %reduce_sum3A_56 : vector<1xf32> to vector<1x1xf32>
    %div3A_58 = arith.constant 2.560000e+02 : f32
    %div3A_59 = vector.broadcast %div3A_58 : f32 to vector<1x1xf32>
    %div3A_60 = arith.divf %broadcast_in_dim3A_57, %div3A_59 : vector<1x1xf32>
    %eq3A = arith.constant 0 : i32
    %eq3A_61 = arith.cmpi eq, %arg0, %eq3A : i32
    %convert_element_type3A_62 = arith.extui %eq3A_61 : i1 to i32
    %cond3A = arith.constant 0 : i32
    %cond3A_63 = arith.cmpi ne, %convert_element_type3A_62, %cond3A : i32
    scf.if %cond3A_63 {
      %swap3A = arith.constant 0 : index
      %swap3A_68 = arith.constant 0 : index
      %swap3A_69 = vector.load %arg4[%swap3A, %swap3A_68] : memref<1x1xf32, #tpu.memory_space<vmem>>, vector<1x1xf32>
      tpu.vector_store %arg4[%swap3A, %swap3A_68], %div3A_60 {strides = array<i32>} : memref<1x1xf32, #tpu.memory_space<vmem>>, vector<1x1xf32>,
    } else {
    }
    %gt3A = arith.constant 0 : i32
    %gt3A_64 = arith.cmpi sgt, %arg0, %gt3A : i32
    %convert_element_type3A_65 = arith.extui %gt3A_64 : i1 to i32
    %cond3A_66 = arith.constant 0 : i32
    %cond3A_67 = arith.cmpi ne, %convert_element_type3A_65, %cond3A_66 : i32
    scf.if %cond3A_67 {
      %get3A_68 = arith.constant 0 : index
      %get3A_69 = arith.constant 0 : index
      %get3A_70 = vector.load %arg4[%get3A_68, %get3A_69] : memref<1x1xf32, #tpu.memory_space<vmem>>, vector<1x1xf32>
      %add3A_71 = arith.addf %get3A_70, %div3A_60 : vector<1x1xf32>
      %swap3A = arith.constant 0 : index
      %swap3A_72 = arith.constant 0 : index
      %swap3A_73 = vector.load %arg4[%swap3A, %swap3A_72] : memref<1x1xf32, #tpu.memory_space<vmem>>, vector<1x1xf32>
      tpu.vector_store %arg4[%swap3A, %swap3A_72], %add3A_71 {strides = array<i32>} : memref<1x1xf32, #tpu.memory_space<vmem>>, vector<1x1xf32>,
    } else {
    }
    return
  }
  func.func @transform_0(%arg0: i32) -> (i32, i32, i32) {
    %c0_i32 = arith.constant 0 : i32
    %c0_i32_0 = arith.constant 0 : i32
    %c0_i32_1 = arith.constant 0 : i32
    return %arg0, %c0_i32, %c0_i32_0 : i32, i32, i32
  }
  func.func @transform_1(%arg0: i32) -> (i32, i32) {
    %c0_i32 = arith.constant 0 : i32
    %c0_i32_0 = arith.constant 0 : i32
    return %arg0, %c0_i32 : i32, i32
  }
  func.func @transform_2(%arg0: i32) -> (i32, i32) {
    %c0_i32 = arith.constant 0 : i32
    %c0_i32_0 = arith.constant 0 : i32
    return %arg0, %c0_i32 : i32, i32
  }
  func.func @transform_3(%arg0: i32) -> (i32, i32) {
    %c0_i32 = arith.constant 0 : i32
    %c0_i32_0 = arith.constant 0 : i32
    %c0_i32_1 = arith.constant 0 : i32
    return %c0_i32, %c0_i32_0 : i32, i32
  }
}

</mosaic_0001>

<sc_bundles>
// kernel: kernel.5.cloned.1.call-start
scs
__scs_entry_jumppad:
0x0: {  	(pc) =	sbr.rel $0x88, $3  }
0x1: {  	(tag) =	ssettag $0x0;
	lr =	simm.s32 $0x1  }
0x2: {  	[smem:$0x3F9D] =	sst lr;
	_ =	strace $0xD0000000  }
0x3: {  	_ = 	snop  }
0x4: {  	_ = 	snop  }
0x5: {  	_ = 	snop  }
0x6: {  	_ = 	snop  }
0x7: {  	_ = 	snop  }
__scs_overlays_trampoline_lowered:
0x8: {  	[smem:$0x3FAC] =	sst s0  }
0x9: {  	[smem:$0x3FAD] =	sst s1  }
0xa: {  	[smem:$0x3FAE] =	sst s2  }
0xb: {  	[smem:$0x3FAF] =	sst s3  }
0xc: {  	[smem:$0x3FB0] =	sst s4  }
0xd: {  	[smem:$0x3FB1] =	sst s5  }
0xe: {  	[smem:$0x3FB2] =	sst s6  }
0xf: {  	[smem:$0x3FB3] =	sst s7  }
0x10: {  	[smem:$0x3FB4] =	sst s8  }
0x11: {  	[smem:$0x3FB5] =	sst s9;
	s0 =	simm.s32 @!p0 $0x0  }
0x12: {  	s1 =	sld [smem:$0x3F9B];
	s0 =	simm.s32 @p0 $0x1  }
0x13: {  	[smem:$0x3FB6] =	sst s0;
	s0 =	simm.s32 @!p1 $0x0  }
0x14: {  	s2 =	sld [smem:$0x3F9A];
	s0 =	simm.s32 @p1 $0x1  }
0x15: {  	[smem:$0x3FB7] =	sst s0;
	s0 =	simm.s32 @!p2 $0x0  }
0x16: {  	s3 =	sld [smem:$0x3FDB];
	s0 =	simm.s32 @p2 $0x1  }
0x17: {  	s4 =	simm.s32 $0x1BF5;
	[smem:$0x3FB9] =	sst s0  }
0x18: {  	s0 =	sld [smem:$0x3F9C];
	_ =	swait.ge [sflag:s4], $0x0  }
0x19: {  	s7 =	sld [smem:$0x3F9D]  }
0x1a: {  	s8 =	sadd.s32 $0xFFFFE003, lr  }
0x1b: {  	s9 =	sadd.s32 $0xFFFFFEF7, lr;
	s5 =	simm.s32 $0xFFFFFFFF;
	p2 =	slt.u32 s8, $0xFFFFF086  }
0x1c: {  	p1 =	slt.u32 s9, $0xF7A;
	s5 =	simm.s32 @!p2 $0x0  }
0x1d: {  	s5 =	simm.s32 @p1 $0x1;
	p0 =	seq.s32 s7, s2  }
0x1e: {  	s7 =	smul.u32 @!p0 $0xF7A, s2;
	p2 =	seq.s32 @!p0 s5, $0x0  }
0x1f: {  	s9 =	smul.u32 $0xF7A, s1;
	s8 =	simm.s32 @!p0 $0x1BF5;
	p2 =	por !p2, p0  }
0x20: {  	[sflag:s8] =	ssyncset.s32 @!p0 $0xFFFFF086;
	s6 =	sadd.s32 @!p0 s3, s7;
	s7 =	simm.s32 @!p0 $0x108  }
0x21: {  	s3 =	sadd.s32 s3, s9;
	s6 =	sadd.s32 @!p0 $0x88, s6;
	s7 =	simm.s32 @p2 $0x1082  }
0x22: {  	[simem:s7], [sflag:s8] =	dma.local @!p0 [hbm:s6], $0xF7A  }
0x23: {  	s9 =	sor.u32 $0xD0000000, s2;
	s6 =	simm.s32 $0x108;
	_ =	swait.ge @!p0 [sflag:s8], $0x0  }
0x24: {  	s3 =	sadd.s32 $0x88, s3;
	s6 =	simm.s32 @!p1 $0x1082;
	[sflag:s4] =	ssyncset.s32 $0xFFFFF086  }
0x25: {  	[simem:s6], [sflag:s4] =	dma.local [hbm:s3], $0xF7A  }
0x26: {  	[smem:$0x3F9D] =	sst s1;
	(tag) =	ssettag s2;
	_ =	strace s9  }
0x27: {  	s1 =	sld [smem:$0x3FAD]  }
0x28: {  	s2 =	sld [smem:$0x3FAE]  }
0x29: {  	s4 =	sld [smem:$0x3FB0]  }
0x2a: {  	p0 =	seq.s32 s5, $0x0;
	s5 =	sld [smem:$0x3FB1]  }
0x2b: {  	s6 =	sld [smem:$0x3FB2]  }
0x2c: {  	s7 =	sld [smem:$0x3FB3]  }
0x2d: {  	s3 =	simm.s32 $0x108;
	s8 =	sld [smem:$0x3FB4]  }
0x2e: {  	s3 =	simm.s32 @!p0 $0x1082;
	s9 =	sld [smem:$0x3FB5]  }
0x2f: {  	lr =	sadd.s32 s0, s3;
	s0 =	sld [smem:$0x3FAC]  }
0x30: {  	s3 =	sld [smem:$0x3FAF]  }
0x31: {  	[smem:$0x3FB8] =	sst s10  }
0x32: {  	s10 =	sld [smem:$0x3FB6];
	_ =	sdelay $0x3  }
0x33: {  	p0 =	seq.s32 s10, $0x1;
	s10 =	sld [smem:$0x3FB8];
	_ =	sdelay $0x3  }
0x34: {  	[smem:$0x3FB8] =	sst s10  }
0x35: {  	s10 =	sld [smem:$0x3FB7];
	_ =	sdelay $0x3  }
0x36: {  	p1 =	seq.s32 s10, $0x1;
	s10 =	sld [smem:$0x3FB8];
	_ =	sdelay $0x3  }
0x37: {  	[smem:$0x3FB8] =	sst s10  }
0x38: {  	s10 =	sld [smem:$0x3FB9]  }
0x39: {  	_ = 	snop;
	(pc) =	sbr.ind lr, $3  }
0x3a: {  	_ = 	snop  }
0x3b: {  	_ = 	snop  }
0x3c: {  	p2 =	seq.s32 s10, $0x1;
	s10 =	sld [smem:$0x3FB8]  }
0x3d: {  	_ =	shalt  }
0x3e: {  	_ =	shalt  }
0x3f: {  	_ =	shalt  }
0x40: {  	_ =	shalt  }
0x41: {  	_ =	shalt  }
0x42: {  	_ =	shalt  }
0x43: {  	_ =	shalt  }
0x44: {  	_ =	shalt  }
0x45: {  	_ =	shalt  }
0x46: {  	_ =	shalt  }
0x47: {  	_ =	shalt  }
0x48: {  	_ =	shalt  }
0x49: {  	_ =	shalt  }
0x4a: {  	_ =	shalt  }
0x4b: {  	_ =	shalt  }
0x4c: {  	_ =	shalt  }
0x4d: {  	_ =	shalt  }
0x4e: {  	_ =	shalt  }
0x4f: {  	_ =	shalt  }
0x50: {  	_ =	shalt  }
0x51: {  	_ =	shalt  }
0x52: {  	_ =	shalt  }
0x53: {  	_ =	shalt  }
0x54: {  	_ =	shalt  }
0x55: {  	_ =	shalt  }
0x56: {  	_ =	shalt  }
0x57: {  	_ =	shalt  }
0x58: {  	_ =	shalt  }
0x59: {  	_ =	shalt  }
0x5a: {  	_ =	shalt  }
0x5b: {  	_ =	shalt  }
0x5c: {  	_ =	shalt  }
0x5d: {  	_ =	shalt  }
0x5e: {  	_ =	shalt  }
0x5f: {  	_ =	shalt  }
0x60: {  	_ =	shalt  }
0x61: {  	_ =	shalt  }
0x62: {  	_ =	shalt  }
0x63: {  	_ =	shalt  }
0x64: {  	_ =	shalt  }
0x65: {  	_ =	shalt  }
0x66: {  	_ =	shalt  }
0x67: {  	_ =	shalt  }
0x68: {  	_ =	shalt  }
0x69: {  	_ =	shalt  }
0x6a: {  	_ =	shalt  }
0x6b: {  	_ =	shalt  }
0x6c: {  	_ =	shalt  }
0x6d: {  	_ =	shalt  }
0x6e: {  	_ =	shalt  }
0x6f: {  	_ =	shalt  }
0x70: {  	_ =	shalt  }
0x71: {  	_ =	shalt  }
0x72: {  	_ =	shalt  }
0x73: {  	_ =	shalt  }
0x74: {  	_ =	shalt  }
0x75: {  	_ =	shalt  }
0x76: {  	_ =	shalt  }
0x77: {  	_ =	shalt  }
0x78: {  	_ =	shalt  }
0x79: {  	_ =	shalt  }
0x7a: {  	_ =	shalt  }
0x7b: {  	_ =	shalt  }
0x7c: {  	_ =	shalt  }
0x7d: {  	_ =	shalt  }
0x7e: {  	_ =	shalt  }
0x7f: {  	_ =	shalt  }
0x80: {  	_ =	shalt  }
0x81: {  	_ =	shalt  }
0x82: {  	_ =	shalt  }
0x83: {  	_ =	shalt  }
0x84: {  	_ =	shalt  }
0x85: {  	_ =	shalt  }
0x86: {  	_ =	shalt  }
0x87: {  	_ =	shalt  }
.Lfunc_end0:
.L_simem_size_0:
called_computation_lowered:
.L_overlay_start_0:
0x88: {  	s2 =	sld [smem:$0x3FD9]  }
0x89: {  	s3 =	sld [smem:$0x3FFE];
	_ =	sdelay $0x1  }
0x8a: {  	s1 =	srdreg.scid  }
0x8b: {  	s0 =	sand.u32 $0x1, s1  }
0x8c: {  	s16 =	sshll.u32 s0, $0xA;
	s2 =	sadd.s32 s3, s2  }
0x8d: {  	s2 =	sadd.s32 s2, s16  }
0x8e: {  	[smem:$0x3FC4] =	sst s2  }
0x8f: {  	_ = 	snop  }
0x90: {  	(tm) =	ssettm $0x1  }
0x91: {  	s17 =	sld [smem:$0x3FFB];
	_ =	sdelay $0x3  }
0x92: {  	_ =	strace s17  }
0x93: {  	s2 =	sld [smem:$0x3FFC];
	_ =	sdelay $0x3  }
0x94: {  	_ =	strace s2  }
0x95: {  	s2 =	sld [smem:$0x3FFD];
	_ =	sdelay $0x3  }
0x96: {  	_ =	strace s2  }
0x97: {  	_ =	strace $0x8FFFFFFF  }
0x98: {  	s18 =	sld [smem:$0x3FDB];
	_ =	sdelay $0x1  }
0x99: {  	s19 =	simm.s32 $_scs_section_size  }
0x9a: {  	s4 =	simm.s32 $_size__tile_overlayer_lowered;
	s5 =	simm.s32 $_tile_overlayer_lowered  }
0x9b: {  	s22 =	simm.s32 $0x1BFF;
	s21 =	sshll.u32 s5, $0x1;
	s2 =	sadd.s32 s19, s18  }
0x9c: {  	s6 =	simm.s32 $0x0;
	s20 =	sshll.u32 s4, $0x1;
	s4 =	sadd.s32 s21, s2  }
0x9d: {  	[timem:s6], [sflag:s22] =	dma.local [hbm:s4], s20  }
0x9e: {  	_ =	swait.ge [sflag:s22], s20  }
0x9f: {  	s3 =	ssub.s32 $0x0, s20;
	[sflag:s22] =	ssyncset.done $0x0  }
0xa0: {  	[sflag:s22] =	ssyncadd.s32 s3;
	_ =	sdelay $0x1  }
0xa1: {  	s23 =	simm.s32 $0x1B8B  }
0xa2: {  	_ =	swait.ge [sflag:s23], $0x1  }
0xa3: {  	[sflag:s23] =	ssyncset.done $0x0  }
0xa4: {  	s25 =	simm.s32 $0x1B8E;
	s24 =	sld [smem:$0x3FFE];
	[sflag:s23] =	ssyncadd.s32 $0xFFFFFFFF  }
0xa5: {  	s26 =	simm.s32 $execute0_lowered;
	[smem:$0x3FD2] =	sst s25  }
0xa6: {  	s4 =	sshll.u32 s26, $0x1;
	_ =	strace $0x80000046;
	[dreg:$0x1] =	wrdreg $0xFFFFFFFF  }
0xa7: {  	s28 =	simm.s32 $_size_execute0_lowered;
	s2 =	sadd.s32 s2, s4;
	[dreg:$0x0] =	wrdreg $0x0  }
0xa8: {  	s4 =	sshll.u32 s28, $0x1;
	[dreg:$0x2] =	wrdreg s2  }
0xa9: {  	[dreg:$0x3] =	wrdreg s4  }
0xaa: {  	[dreg:$0x4] =	wrdreg $0xC0  }
0xab: {  	_ =	task [dreg:s6], $0x5FFFF  }
0xac: {  	[dreg:$0x1] =	wrdreg $0xFFFFFFFF  }
0xad: {  	[dreg:$0x0] =	wrdreg $0x60  }
0xae: {  	[dreg:$0x2] =	wrdreg s24  }
0xaf: {  	[dreg:$0x3] =	wrdreg $0x9  }
0xb0: {  	_ =	task.clear_ibuf [dreg:s6], $0x4FFFF;
	_ =	strace $0x90000046  }
0xb1: {  	s29 =	simm.s32 $0x9;
	_ =	strace $0x80000048  }
0xb2: {  	_ =	swait.ge [sflag:s29], $0x1  }
0xb3: {  	[sflag:s29] =	ssyncadd.s32 $0xFFFFFFFF  }
0xb4: {  	_ =	strace $0x90000048  }
0xb5: {  	_ =	sfence  }
0xb6: {  	s30 =	sld [smem:$0x0];
	_ =	sdelay $0x2  }
0xb7: {  	s31 =	sshll.u32 s1, $0xD;
	s1 =	sshrl.u32 s1, $0x2  }
0xb8: {  	s3 =	sand.u32 $0x4000, s31;
	s1 =	sadd.s32 s1, s30  }
0xb9: {  	s0 =	sor.u32 s3, s0;
	s1 =	sshll.u32 s1, $0x11  }
0xba: {  	s0 =	sor.u32 s1, s0  }
0xbb: {  	s0 =	sadd.s32 $0x8F2B, s0  }
0xbc: {  	[sflag:s0] =	ssyncadd.remote.s32 $0x1  }
0xbd: {  	_ =	sfence.sel $0xFFFF  }
0xbe: {  	[dreg:$0x0] =	wrdreg $0xFFFFFFFF;
	(pc) =	sbr.abs _section_cstart, $3  }
0xbf: {  	[dreg:$0x1] =	wrdreg $0xFFFFFFFF  }
0xc0: {  	_ =	task.clear_ibuf [dreg:s6], $0x2FFFF;
	_ =	strace $0x9FFFFFFF  }
0xc1: {  	(tm) =	ssettm $0x7FFFFFFF  }
tec
execute0_lowered:
.L_overlay_start_1:
0x0: {  	(tag) =	ssettag $0x1  }
0x1: {  	s19 =	rddreg [dreg:$0x0]  }
0x2: {  	s2 =	srdreg.scid;
	s1 =	simm.s32 $0x0;
	s0 =	stileid.u32  }
0x3: {  	s2 =	sand.u32 $0x1, s2;
	[smem:$0x7FF] =	sst s1;
	s13 =	sadd.s32 $0x403400, s19  }
0x4: {  	s4 =	sshll.u32 s0, $0x1;
	s18 =	sadd.s32 $0x40B400, s19;
	s19 =	sadd.s32 $0x1400, s19  }
0x5: {  	s3 =	ssub.s32 $0x2, s2;
	s11 =	sor.u32 s2, s4;
	_ =	strace $0x80000047  }
0x6: {  	s5 =	sshrl.u32 s3, $0x1;
	s21 =	sshll.u32 s11, $0x3;
	s2 =	sshll.u32 s11, $0xA  }
0x7: {  	s14 =	sshll.u32 s11, $0xF;
	s29 =	sshllo.u32 s11, $0x3;
	s20 =	ssub.s32 s3, s5  }
0x8: {  	s22 =	sor.u32 $0x1, s21;
	s2 =	sadd.s32 s13, s2;
	s3 =	sadd.s32 s18, s14  }
0x9: {  	s23 =	sor.u32 $0x2, s21;
	s24 =	sor.u32 $0x3, s21;
	s25 =	sor.u32 $0x4, s21  }
0xa: {  	s26 =	sor.u32 $0x5, s21;
	s28 =	sor.u32 $0x6, s21;
	s17 =	sshll.u32 s29, $0x7  }
0xb: {  	v0 =	vmov s21;
	s21 =	simm.s32 $0x2;
	s15 =	sshll.u32 s22, $0x7;
	s16 =	sshll.u32 s22, $0xC  }
0xc: {  	s6 =	sshll.u32 s23, $0x7;
	s7 =	sshll.u32 s23, $0xC;
	s8 =	sshll.u32 s24, $0x7  }
0xd: {  	s9 =	sshll.u32 s24, $0xC;
	s10 =	sshll.u32 s25, $0x7;
	s12 =	sshll.u32 s26, $0x7  }
0xe: {  	s14 =	sshll.u32 s28, $0x7;
	s30 =	sshll.u32 s25, $0xC;
	s31 =	sshll.u32 s28, $0xC  }
0xf: {  	v1 =	vmov s22;
	v2 =	vmov s23;
	s20 =	smax.u32 s20, $0x1;
	s22 =	simm.s32 $0x400;
	s23 =	simm.s32 $0x480  }
0x10: {  	v3 =	vmov s24;
	v4 =	vmov s25;
	s24 =	simm.s32 $0x80;
	s25 =	simm.s32 $0x500;
	v6 =	vmov s28;
	s28 =	simm.s32 $0x4500  }
0x11: {  	s4 =	sadd.s32 s13, s15;
	s5 =	sadd.s32 s18, s16;
	s6 =	sadd.s32 s13, s6  }
0x12: {  	s7 =	sadd.s32 s18, s7;
	s8 =	sadd.s32 s13, s8;
	s9 =	sadd.s32 s18, s9  }
0x13: {  	s10 =	sadd.s32 s13, s10;
	s11 =	sadd.s32 s13, s12;
	s12 =	sadd.s32 s13, s14  }
0x14: {  	s13 =	sadd.s32 s13, s17;
	s16 =	sshll.u32 s26, $0xC;
	s15 =	sadd.s32 s18, s30  }
0x15: {  	v8 =	vlaneseq.u32;
	v5 =	vmov s26;
	s17 =	sadd.s32 s18, s31;
	s30 =	sshll.u32 s29, $0xC;
	s26 =	simm.s32 $0x1  }
0x16: {  	v8 =	vmul.u32 $0x100, v8;
	v7 =	vmov s29;
	s29 =	simm.s32 $0x0;
	s16 =	sadd.s32 s18, s16;
	s18 =	sadd.s32 s18, s30  }
.LBB2_1:
0x17: {  	[tilespmem:s1], [sflag:$0x2] =	stream.linear.gather [hbm4b:s2+s1], $0x400, $0x38;
	[tilespmem:$0x8500] =	vst v63  }
0x18: {  	_ =	swait.ge [sflag:s21], $0x400  }
0x19: {  	[sflag:s21] =	ssyncset.done $0x0  }
0x1a: {  	[sflag:s21] =	ssyncadd.s32 $0xFFFFFC00  }
0x1b: {  	v11 =	vld [tilespmem:s1+$0x0];
	_ =	sdelay $0x4  }
0x1c: {  	v9 =	vmov s1;
	vm1 =	vlt.s32 v11, $0x80  }
0x1d: {  	v9 =	vshll.u32 v9, $0x8;
	v12 =	vand.u32 $0xFFFFFF80, v11  }
0x1e: {  	v9 =	vor.u32 v8, v9;
	vm0 =	veq.s32 v12, $0x80  }
0x1f: {  	v10 =	vor.u32 v0, v9;
	v9 =	vadd.s32 $0xFFFFFF80, v11;
	_ =	sdelay $0x2  }
0x20: {  	s30 =	simm.s32 $0x10;
	s31 =	simm.s32 $0x0;
	[tilespmem:v11+s22+$0x0] =	vst.idx.msk vm1, v10  }
.LBB2_2:
0x21: {  	p0 =	sne.s32 s30, $0x3F0  }
0x22: {  	[tilespmem:v9+s23+$0x0] =	vst.idx.msk vm0, v10;
	s31 =	sadd.s32 $0x10, s31;
	s14 =	smov.u32 s30;
	s30 =	sadd.s32 $0x10, s30  }
0x23: {  	v11 =	vld [tilespmem:s31+$0x0];
	_ =	sdelay $0x4  }
0x24: {  	vm1 =	vlt.s32 v11, $0x80;
	v9 =	vand.u32 $0xFFFFFF80, v11  }
0x25: {  	vm0 =	veq.s32 v9, $0x80  }
.Ltmp0:
0x26: {  	v10 =	vmov s14;
	v9 =	vadd.s32 $0xFFFFFF80, v11;
	(pc) =	sbr.rel @p0 .LBB2_2-.Ltmp0, $4  }
0x27: {  	v10 =	vshll.u32 v10, $0x8  }
0x28: {  	v10 =	vor.u32 v8, v10  }
0x29: {  	v10 =	vor.u32 v0, v10  }
0x2a: {  	[tilespmem:v11+s22+$0x0] =	vst.idx.msk vm1, v10  }
0x2b: {  	_ =	sdelay $0x4  }
0x2c: {  	[tilespmem:v9+s23+$0x0] =	vst.idx.msk vm0, v10  }
0x2d: {  	[tilespmem:s25], [sflag:$0x1] =	stream.indirect.gather [hbm4b:s19+s24], $0x80, s22, s24, $0xb8;
	[tilespmem:$0x8500] =	vst v63  }
0x2e: {  	_ =	swait.ge [sflag:s26], $0x4000  }
0x2f: {  	[sflag:s26] =	ssyncset.done $0x0  }
0x30: {  	[sflag:s26] =	ssyncadd.s32 $0xFFFFC000  }
0x31: {  	[tilespmem:s28], [sflag:$0x1] =	stream.indirect.gather [hbm4b:s19+s24], $0x80, s23, s24, $0xb8;
	[tilespmem:$0x8500] =	vst v63  }
0x32: {  	_ =	swait.ge [sflag:s26], $0x4000  }
0x33: {  	[sflag:s26] =	ssyncset.done $0x0  }
0x34: {  	s30 =	simm.s32 $0x0;
	[sflag:s26] =	ssyncadd.s32 $0xFFFFC000  }
0x35: {  	[hbm4b:s3+s30] =	stream.linear.scatter [tilespmem:s25], [sflag:$0x2], $0x8000, $0x38;
	[tilespmem:$0x8500] =	vst v63  }
0x36: {  	_ =	swait.ge [sflag:s21], $0x8000  }
0x37: {  	[sflag:s21] =	ssyncset.done $0x0  }
0x38: {  	[sflag:s21] =	ssyncadd.s32 $0xFFFF8000  }
0x39: {  	[tilespmem:s30], [sflag:$0x2] =	stream.linear.gather [hbm4b:s4+s30], $0x400, $0x38;
	[tilespmem:$0x8500] =	vst v63  }
0x3a: {  	_ =	swait.ge [sflag:s21], $0x400  }
0x3b: {  	[sflag:s21] =	ssyncset.done $0x0  }
0x3c: {  	[sflag:s21] =	ssyncadd.s32 $0xFFFFFC00  }
0x3d: {  	v11 =	vld [tilespmem:s30+$0x0];
	_ =	sdelay $0x4  }
0x3e: {  	v9 =	vmov s30;
	vm1 =	vlt.s32 v11, $0x80  }
0x3f: {  	v9 =	vshll.u32 v9, $0x8;
	v12 =	vand.u32 $0xFFFFFF80, v11  }
0x40: {  	v9 =	vor.u32 v8, v9;
	vm0 =	veq.s32 v12, $0x80  }
0x41: {  	v10 =	vor.u32 v1, v9;
	v9 =	vadd.s32 $0xFFFFFF80, v11;
	_ =	sdelay $0x2  }
0x42: {  	s31 =	simm.s32 $0x10;
	[tilespmem:v11+s22+$0x0] =	vst.idx.msk vm1, v10  }
.LBB2_4:
0x43: {  	p0 =	sne.s32 s31, $0x3F0  }
0x44: {  	[tilespmem:v9+s23+$0x0] =	vst.idx.msk vm0, v10;
	s30 =	sadd.s32 $0x10, s30;
	s14 =	smov.u32 s31;
	s31 =	sadd.s32 $0x10, s31  }
0x45: {  	v11 =	vld [tilespmem:s30+$0x0];
	_ =	sdelay $0x4  }
0x46: {  	vm1 =	vlt.s32 v11, $0x80;
	v9 =	vand.u32 $0xFFFFFF80, v11  }
0x47: {  	vm0 =	veq.s32 v9, $0x80  }
.Ltmp1:
0x48: {  	v10 =	vmov s14;
	v9 =	vadd.s32 $0xFFFFFF80, v11;
	(pc) =	sbr.rel @p0 .LBB2_4-.Ltmp1, $4  }
0x49: {  	v10 =	vshll.u32 v10, $0x8  }
0x4a: {  	v10 =	vor.u32 v8, v10  }
0x4b: {  	v10 =	vor.u32 v1, v10  }
0x4c: {  	[tilespmem:v11+s22+$0x0] =	vst.idx.msk vm1, v10  }
0x4d: {  	_ =	sdelay $0x4  }
0x4e: {  	[tilespmem:v9+s23+$0x0] =	vst.idx.msk vm0, v10  }
0x4f: {  	[tilespmem:s25], [sflag:$0x1] =	stream.indirect.gather [hbm4b:s19+s24], $0x80, s22, s24, $0xb8;
	[tilespmem:$0x8500] =	vst v63  }
0x50: {  	_ =	swait.ge [sflag:s26], $0x4000  }
0x51: {  	[sflag:s26] =	ssyncset.done $0x0  }
0x52: {  	[sflag:s26] =	ssyncadd.s32 $0xFFFFC000  }
0x53: {  	[tilespmem:s28], [sflag:$0x1] =	stream.indirect.gather [hbm4b:s19+s24], $0x80, s23, s24, $0xb8;
	[tilespmem:$0x8500] =	vst v63  }
0x54: {  	_ =	swait.ge [sflag:s26], $0x4000  }
0x55: {  	[sflag:s26] =	ssyncset.done $0x0  }
0x56: {  	s30 =	simm.s32 $0x0;
	[sflag:s26] =	ssyncadd.s32 $0xFFFFC000  }
0x57: {  	[hbm4b:s5+s30] =	stream.linear.scatter [tilespmem:s25], [sflag:$0x2], $0x8000, $0x38;
	[tilespmem:$0x8500] =	vst v63  }
0x58: {  	_ =	swait.ge [sflag:s21], $0x8000  }
0x59: {  	[sflag:s21] =	ssyncset.done $0x0  }
0x5a: {  	[sflag:s21] =	ssyncadd.s32 $0xFFFF8000  }
0x5b: {  	[tilespmem:s30], [sflag:$0x2] =	stream.linear.gather [hbm4b:s6+s30], $0x400, $0x38;
	[tilespmem:$0x8500] =	vst v63  }
0x5c: {  	_ =	swait.ge [sflag:s21], $0x400  }
0x5d: {  	[sflag:s21] =	ssyncset.done $0x0  }
0x5e: {  	[sflag:s21] =	ssyncadd.s32 $0xFFFFFC00  }
0x5f: {  	v11 =	vld [tilespmem:s30+$0x0];
	_ =	sdelay $0x4  }
0x60: {  	v9 =	vmov s30;
	vm1 =	vlt.s32 v11, $0x80  }
0x61: {  	v9 =	vshll.u32 v9, $0x8;
	v12 =	vand.u32 $0xFFFFFF80, v11  }
0x62: {  	v9 =	vor.u32 v8, v9;
	vm0 =	veq.s32 v12, $0x80  }
0x63: {  	v10 =	vor.u32 v2, v9;
	v9 =	vadd.s32 $0xFFFFFF80, v11;
	_ =	sdelay $0x2  }
0x64: {  	s31 =	simm.s32 $0x10;
	[tilespmem:v11+s22+$0x0] =	vst.idx.msk vm1, v10  }
.LBB2_6:
0x65: {  	p0 =	sne.s32 s31, $0x3F0  }
0x66: {  	[tilespmem:v9+s23+$0x0] =	vst.idx.msk vm0, v10;
	s30 =	sadd.s32 $0x10, s30;
	s14 =	smov.u32 s31;
	s31 =	sadd.s32 $0x10, s31  }
0x67: {  	v11 =	vld [tilespmem:s30+$0x0];
	_ =	sdelay $0x4  }
0x68: {  	vm1 =	vlt.s32 v11, $0x80;
	v9 =	vand.u32 $0xFFFFFF80, v11  }
0x69: {  	vm0 =	veq.s32 v9, $0x80  }
.Ltmp2:
0x6a: {  	v10 =	vmov s14;
	v9 =	vadd.s32 $0xFFFFFF80, v11;
	(pc) =	sbr.rel @p0 .LBB2_6-.Ltmp2, $4  }
0x6b: {  	v10 =	vshll.u32 v10, $0x8  }
0x6c: {  	v10 =	vor.u32 v8, v10  }
0x6d: {  	v10 =	vor.u32 v2, v10  }
0x6e: {  	[tilespmem:v11+s22+$0x0] =	vst.idx.msk vm1, v10  }
0x6f: {  	_ =	sdelay $0x4  }
0x70: {  	[tilespmem:v9+s23+$0x0] =	vst.idx.msk vm0, v10  }
0x71: {  	[tilespmem:s25], [sflag:$0x1] =	stream.indirect.gather [hbm4b:s19+s24], $0x80, s22, s24, $0xb8;
	[tilespmem:$0x8500] =	vst v63  }
0x72: {  	_ =	swait.ge [sflag:s26], $0x4000  }
0x73: {  	[sflag:s26] =	ssyncset.done $0x0  }
0x74: {  	[sflag:s26] =	ssyncadd.s32 $0xFFFFC000  }
0x75: {  	[tilespmem:s28], [sflag:$0x1] =	stream.indirect.gather [hbm4b:s19+s24], $0x80, s23, s24, $0xb8;
	[tilespmem:$0x8500] =	vst v63  }
0x76: {  	_ =	swait.ge [sflag:s26], $0x4000  }
0x77: {  	[sflag:s26] =	ssyncset.done $0x0  }
0x78: {  	s30 =	simm.s32 $0x0;
	[sflag:s26] =	ssyncadd.s32 $0xFFFFC000  }
0x79: {  	[hbm4b:s7+s30] =	stream.linear.scatter [tilespmem:s25], [sflag:$0x2], $0x8000, $0x38;
	[tilespmem:$0x8500] =	vst v63  }
0x7a: {  	_ =	swait.ge [sflag:s21], $0x8000  }
0x7b: {  	[sflag:s21] =	ssyncset.done $0x0  }
0x7c: {  	[sflag:s21] =	ssyncadd.s32 $0xFFFF8000  }
0x7d: {  	[tilespmem:s30], [sflag:$0x2] =	stream.linear.gather [hbm4b:s8+s30], $0x400, $0x38;
	[tilespmem:$0x8500] =	vst v63  }
0x7e: {  	_ =	swait.ge [sflag:s21], $0x400  }
0x7f: {  	[sflag:s21] =	ssyncset.done $0x0  }
0x80: {  	[sflag:s21] =	ssyncadd.s32 $0xFFFFFC00  }
0x81: {  	v11 =	vld [tilespmem:s30+$0x0];
	_ =	sdelay $0x4  }
0x82: {  	v9 =	vmov s30;
	vm1 =	vlt.s32 v11, $0x80  }
0x83: {  	v9 =	vshll.u32 v9, $0x8;
	v12 =	vand.u32 $0xFFFFFF80, v11  }
0x84: {  	v9 =	vor.u32 v8, v9;
	vm0 =	veq.s32 v12, $0x80  }
0x85: {  	v10 =	vor.u32 v3, v9;
	v9 =	vadd.s32 $0xFFFFFF80, v11;
	_ =	sdelay $0x2  }
0x86: {  	s31 =	simm.s32 $0x10;
	[tilespmem:v11+s22+$0x0] =	vst.idx.msk vm1, v10  }
.LBB2_8:
0x87: {  	p0 =	sne.s32 s31, $0x3F0  }
0x88: {  	[tilespmem:v9+s23+$0x0] =	vst.idx.msk vm0, v10;
	s30 =	sadd.s32 $0x10, s30;
	s14 =	smov.u32 s31;
	s31 =	sadd.s32 $0x10, s31  }
0x89: {  	v11 =	vld [tilespmem:s30+$0x0];
	_ =	sdelay $0x4  }
0x8a: {  	vm1 =	vlt.s32 v11, $0x80;
	v9 =	vand.u32 $0xFFFFFF80, v11  }
0x8b: {  	vm0 =	veq.s32 v9, $0x80  }
.Ltmp3:
0x8c: {  	v10 =	vmov s14;
	v9 =	vadd.s32 $0xFFFFFF80, v11;
	(pc) =	sbr.rel @p0 .LBB2_8-.Ltmp3, $4  }
0x8d: {  	v10 =	vshll.u32 v10, $0x8  }
0x8e: {  	v10 =	vor.u32 v8, v10  }
0x8f: {  	v10 =	vor.u32 v3, v10  }
0x90: {  	[tilespmem:v11+s22+$0x0] =	vst.idx.msk vm1, v10  }
0x91: {  	_ =	sdelay $0x4  }
0x92: {  	[tilespmem:v9+s23+$0x0] =	vst.idx.msk vm0, v10  }
0x93: {  	[tilespmem:s25], [sflag:$0x1] =	stream.indirect.gather [hbm4b:s19+s24], $0x80, s22, s24, $0xb8;
	[tilespmem:$0x8500] =	vst v63  }
0x94: {  	_ =	swait.ge [sflag:s26], $0x4000  }
0x95: {  	[sflag:s26] =	ssyncset.done $0x0  }
0x96: {  	[sflag:s26] =	ssyncadd.s32 $0xFFFFC000  }
0x97: {  	[tilespmem:s28], [sflag:$0x1] =	stream.indirect.gather [hbm4b:s19+s24], $0x80, s23, s24, $0xb8;
	[tilespmem:$0x8500] =	vst v63  }
0x98: {  	_ =	swait.ge [sflag:s26], $0x4000  }
0x99: {  	[sflag:s26] =	ssyncset.done $0x0  }
0x9a: {  	s30 =	simm.s32 $0x0;
	[sflag:s26] =	ssyncadd.s32 $0xFFFFC000  }
0x9b: {  	[hbm4b:s9+s30] =	stream.linear.scatter [tilespmem:s25], [sflag:$0x2], $0x8000, $0x38;
	[tilespmem:$0x8500] =	vst v63  }
0x9c: {  	_ =	swait.ge [sflag:s21], $0x8000  }
0x9d: {  	[sflag:s21] =	ssyncset.done $0x0  }
0x9e: {  	[sflag:s21] =	ssyncadd.s32 $0xFFFF8000  }
0x9f: {  	[tilespmem:s30], [sflag:$0x2] =	stream.linear.gather [hbm4b:s10+s30], $0x400, $0x38;
	[tilespmem:$0x8500] =	vst v63  }
0xa0: {  	_ =	swait.ge [sflag:s21], $0x400  }
0xa1: {  	[sflag:s21] =	ssyncset.done $0x0  }
0xa2: {  	[sflag:s21] =	ssyncadd.s32 $0xFFFFFC00  }
0xa3: {  	v11 =	vld [tilespmem:s30+$0x0];
	_ =	sdelay $0x4  }
0xa4: {  	v9 =	vmov s30;
	vm1 =	vlt.s32 v11, $0x80  }
0xa5: {  	v9 =	vshll.u32 v9, $0x8;
	v12 =	vand.u32 $0xFFFFFF80, v11  }
0xa6: {  	v9 =	vor.u32 v8, v9;
	vm0 =	veq.s32 v12, $0x80  }
0xa7: {  	v10 =	vor.u32 v4, v9;
	v9 =	vadd.s32 $0xFFFFFF80, v11;
	_ =	sdelay $0x2  }
0xa8: {  	s31 =	simm.s32 $0x10;
	[tilespmem:v11+s22+$0x0] =	vst.idx.msk vm1, v10  }
.LBB2_10:
0xa9: {  	p0 =	sne.s32 s31, $0x3F0  }
0xaa: {  	[tilespmem:v9+s23+$0x0] =	vst.idx.msk vm0, v10;
	s30 =	sadd.s32 $0x10, s30;
	s14 =	smov.u32 s31;
	s31 =	sadd.s32 $0x10, s31  }
0xab: {  	v11 =	vld [tilespmem:s30+$0x0];
	_ =	sdelay $0x4  }
0xac: {  	vm1 =	vlt.s32 v11, $0x80;
	v9 =	vand.u32 $0xFFFFFF80, v11  }
0xad: {  	vm0 =	veq.s32 v9, $0x80  }
.Ltmp4:
0xae: {  	v10 =	vmov s14;
	v9 =	vadd.s32 $0xFFFFFF80, v11;
	(pc) =	sbr.rel @p0 .LBB2_10-.Ltmp4, $4  }
0xaf: {  	v10 =	vshll.u32 v10, $0x8  }
0xb0: {  	v10 =	vor.u32 v8, v10  }
0xb1: {  	v10 =	vor.u32 v4, v10  }
0xb2: {  	[tilespmem:v11+s22+$0x0] =	vst.idx.msk vm1, v10  }
0xb3: {  	_ =	sdelay $0x4  }
0xb4: {  	[tilespmem:v9+s23+$0x0] =	vst.idx.msk vm0, v10  }
0xb5: {  	[tilespmem:s25], [sflag:$0x1] =	stream.indirect.gather [hbm4b:s19+s24], $0x80, s22, s24, $0xb8;
	[tilespmem:$0x8500] =	vst v63  }
0xb6: {  	_ =	swait.ge [sflag:s26], $0x4000  }
0xb7: {  	[sflag:s26] =	ssyncset.done $0x0  }
0xb8: {  	[sflag:s26] =	ssyncadd.s32 $0xFFFFC000  }
0xb9: {  	[tilespmem:s28], [sflag:$0x1] =	stream.indirect.gather [hbm4b:s19+s24], $0x80, s23, s24, $0xb8;
	[tilespmem:$0x8500] =	vst v63  }
0xba: {  	_ =	swait.ge [sflag:s26], $0x4000  }
0xbb: {  	[sflag:s26] =	ssyncset.done $0x0  }
0xbc: {  	s30 =	simm.s32 $0x0;
	[sflag:s26] =	ssyncadd.s32 $0xFFFFC000  }
0xbd: {  	[hbm4b:s15+s30] =	stream.linear.scatter [tilespmem:s25], [sflag:$0x2], $0x8000, $0x38;
	[tilespmem:$0x8500] =	vst v63  }
0xbe: {  	_ =	swait.ge [sflag:s21], $0x8000  }
0xbf: {  	[sflag:s21] =	ssyncset.done $0x0  }
0xc0: {  	[sflag:s21] =	ssyncadd.s32 $0xFFFF8000  }
0xc1: {  	[tilespmem:s30], [sflag:$0x2] =	stream.linear.gather [hbm4b:s11+s30], $0x400, $0x38;
	[tilespmem:$0x8500] =	vst v63  }
0xc2: {  	_ =	swait.ge [sflag:s21], $0x400  }
0xc3: {  	[sflag:s21] =	ssyncset.done $0x0  }
0xc4: {  	[sflag:s21] =	ssyncadd.s32 $0xFFFFFC00  }
0xc5: {  	v11 =	vld [tilespmem:s30+$0x0];
	_ =	sdelay $0x4  }
0xc6: {  	v9 =	vmov s30;
	vm1 =	vlt.s32 v11, $0x80  }
0xc7: {  	v9 =	vshll.u32 v9, $0x8;
	v12 =	vand.u32 $0xFFFFFF80, v11  }
0xc8: {  	v9 =	vor.u32 v8, v9;
	vm0 =	veq.s32 v12, $0x80  }
0xc9: {  	v10 =	vor.u32 v5, v9;
	v9 =	vadd.s32 $0xFFFFFF80, v11;
	_ =	sdelay $0x2  }
0xca: {  	s31 =	simm.s32 $0x10;
	[tilespmem:v11+s22+$0x0] =	vst.idx.msk vm1, v10  }
.LBB2_12:
0xcb: {  	p0 =	sne.s32 s31, $0x3F0  }
0xcc: {  	[tilespmem:v9+s23+$0x0] =	vst.idx.msk vm0, v10;
	s30 =	sadd.s32 $0x10, s30;
	s14 =	smov.u32 s31;
	s31 =	sadd.s32 $0x10, s31  }
0xcd: {  	v11 =	vld [tilespmem:s30+$0x0];
	_ =	sdelay $0x4  }
0xce: {  	vm1 =	vlt.s32 v11, $0x80;
	v9 =	vand.u32 $0xFFFFFF80, v11  }
0xcf: {  	vm0 =	veq.s32 v9, $0x80  }
.Ltmp5:
0xd0: {  	v10 =	vmov s14;
	v9 =	vadd.s32 $0xFFFFFF80, v11;
	(pc) =	sbr.rel @p0 .LBB2_12-.Ltmp5, $4  }
0xd1: {  	v10 =	vshll.u32 v10, $0x8  }
0xd2: {  	v10 =	vor.u32 v8, v10  }
0xd3: {  	v10 =	vor.u32 v5, v10  }
0xd4: {  	[tilespmem:v11+s22+$0x0] =	vst.idx.msk vm1, v10  }
0xd5: {  	_ =	sdelay $0x4  }
0xd6: {  	[tilespmem:v9+s23+$0x0] =	vst.idx.msk vm0, v10  }
0xd7: {  	[tilespmem:s25], [sflag:$0x1] =	stream.indirect.gather [hbm4b:s19+s24], $0x80, s22, s24, $0xb8;
	[tilespmem:$0x8500] =	vst v63  }
0xd8: {  	_ =	swait.ge [sflag:s26], $0x4000  }
0xd9: {  	[sflag:s26] =	ssyncset.done $0x0  }
0xda: {  	[sflag:s26] =	ssyncadd.s32 $0xFFFFC000  }
0xdb: {  	[tilespmem:s28], [sflag:$0x1] =	stream.indirect.gather [hbm4b:s19+s24], $0x80, s23, s24, $0xb8;
	[tilespmem:$0x8500] =	vst v63  }
0xdc: {  	_ =	swait.ge [sflag:s26], $0x4000  }
0xdd: {  	[sflag:s26] =	ssyncset.done $0x0  }
0xde: {  	s30 =	simm.s32 $0x0;
	[sflag:s26] =	ssyncadd.s32 $0xFFFFC000  }
0xdf: {  	[hbm4b:s16+s30] =	stream.linear.scatter [tilespmem:s25], [sflag:$0x2], $0x8000, $0x38;
	[tilespmem:$0x8500] =	vst v63  }
0xe0: {  	_ =	swait.ge [sflag:s21], $0x8000  }
0xe1: {  	[sflag:s21] =	ssyncset.done $0x0  }
0xe2: {  	[sflag:s21] =	ssyncadd.s32 $0xFFFF8000  }
0xe3: {  	[tilespmem:s30], [sflag:$0x2] =	stream.linear.gather [hbm4b:s12+s30], $0x400, $0x38;
	[tilespmem:$0x8500] =	vst v63  }
0xe4: {  	_ =	swait.ge [sflag:s21], $0x400  }
0xe5: {  	[sflag:s21] =	ssyncset.done $0x0  }
0xe6: {  	[sflag:s21] =	ssyncadd.s32 $0xFFFFFC00  }
0xe7: {  	v11 =	vld [tilespmem:s30+$0x0];
	_ =	sdelay $0x4  }
0xe8: {  	v9 =	vmov s30;
	vm1 =	vlt.s32 v11, $0x80  }
0xe9: {  	v9 =	vshll.u32 v9, $0x8;
	v12 =	vand.u32 $0xFFFFFF80, v11  }
0xea: {  	v9 =	vor.u32 v8, v9;
	vm0 =	veq.s32 v12, $0x80  }
0xeb: {  	v10 =	vor.u32 v6, v9;
	v9 =	vadd.s32 $0xFFFFFF80, v11;
	_ =	sdelay $0x2  }
0xec: {  	s31 =	simm.s32 $0x10;
	[tilespmem:v11+s22+$0x0] =	vst.idx.msk vm1, v10  }
.LBB2_14:
0xed: {  	p0 =	sne.s32 s31, $0x3F0  }
0xee: {  	[tilespmem:v9+s23+$0x0] =	vst.idx.msk vm0, v10;
	s30 =	sadd.s32 $0x10, s30;
	s14 =	smov.u32 s31;
	s31 =	sadd.s32 $0x10, s31  }
0xef: {  	v11 =	vld [tilespmem:s30+$0x0];
	_ =	sdelay $0x4  }
0xf0: {  	vm1 =	vlt.s32 v11, $0x80;
	v9 =	vand.u32 $0xFFFFFF80, v11  }
0xf1: {  	vm0 =	veq.s32 v9, $0x80  }
.Ltmp6:
0xf2: {  	v10 =	vmov s14;
	v9 =	vadd.s32 $0xFFFFFF80, v11;
	(pc) =	sbr.rel @p0 .LBB2_14-.Ltmp6, $4  }
0xf3: {  	v10 =	vshll.u32 v10, $0x8  }
0xf4: {  	v10 =	vor.u32 v8, v10  }
0xf5: {  	v10 =	vor.u32 v6, v10  }
0xf6: {  	[tilespmem:v11+s22+$0x0] =	vst.idx.msk vm1, v10  }
0xf7: {  	_ =	sdelay $0x4  }
0xf8: {  	[tilespmem:v9+s23+$0x0] =	vst.idx.msk vm0, v10  }
0xf9: {  	[tilespmem:s25], [sflag:$0x1] =	stream.indirect.gather [hbm4b:s19+s24], $0x80, s22, s24, $0xb8;
	[tilespmem:$0x8500] =	vst v63  }
0xfa: {  	_ =	swait.ge [sflag:s26], $0x4000  }
0xfb: {  	[sflag:s26] =	ssyncset.done $0x0  }
0xfc: {  	[sflag:s26] =	ssyncadd.s32 $0xFFFFC000  }
0xfd: {  	[tilespmem:s28], [sflag:$0x1] =	stream.indirect.gather [hbm4b:s19+s24], $0x80, s23, s24, $0xb8;
	[tilespmem:$0x8500] =	vst v63  }
0xfe: {  	_ =	swait.ge [sflag:s26], $0x4000  }
0xff: {  	[sflag:s26] =	ssyncset.done $0x0  }
0x100: {  	s30 =	simm.s32 $0x0;
	[sflag:s26] =	ssyncadd.s32 $0xFFFFC000  }
0x101: {  	[hbm4b:s17+s30] =	stream.linear.scatter [tilespmem:s25], [sflag:$0x2], $0x8000, $0x38;
	[tilespmem:$0x8500] =	vst v63  }
0x102: {  	_ =	swait.ge [sflag:s21], $0x8000  }
0x103: {  	[sflag:s21] =	ssyncset.done $0x0  }
0x104: {  	[sflag:s21] =	ssyncadd.s32 $0xFFFF8000  }
0x105: {  	[tilespmem:s30], [sflag:$0x2] =	stream.linear.gather [hbm4b:s13+s30], $0x400, $0x38;
	[tilespmem:$0x8500] =	vst v63  }
0x106: {  	_ =	swait.ge [sflag:s21], $0x400  }
0x107: {  	[sflag:s21] =	ssyncset.done $0x0  }
0x108: {  	[sflag:s21] =	ssyncadd.s32 $0xFFFFFC00  }
0x109: {  	v11 =	vld [tilespmem:s30+$0x0];
	_ =	sdelay $0x4  }
0x10a: {  	v9 =	vmov s30;
	vm1 =	vlt.s32 v11, $0x80  }
0x10b: {  	v9 =	vshll.u32 v9, $0x8;
	v12 =	vand.u32 $0xFFFFFF80, v11  }
0x10c: {  	v9 =	vor.u32 v8, v9;
	vm0 =	veq.s32 v12, $0x80  }
0x10d: {  	v10 =	vor.u32 v7, v9;
	v9 =	vadd.s32 $0xFFFFFF80, v11;
	_ =	sdelay $0x2  }
0x10e: {  	s31 =	simm.s32 $0x10;
	[tilespmem:v11+s22+$0x0] =	vst.idx.msk vm1, v10  }
.LBB2_16:
0x10f: {  	p0 =	sne.s32 s31, $0x3F0  }
0x110: {  	[tilespmem:v9+s23+$0x0] =	vst.idx.msk vm0, v10;
	s30 =	sadd.s32 $0x10, s30;
	s14 =	smov.u32 s31;
	s31 =	sadd.s32 $0x10, s31  }
0x111: {  	v11 =	vld [tilespmem:s30+$0x0];
	_ =	sdelay $0x4  }
0x112: {  	vm1 =	vlt.s32 v11, $0x80;
	v9 =	vand.u32 $0xFFFFFF80, v11  }
0x113: {  	vm0 =	veq.s32 v9, $0x80  }
.Ltmp7:
0x114: {  	v10 =	vmov s14;
	v9 =	vadd.s32 $0xFFFFFF80, v11;
	(pc) =	sbr.rel @p0 .LBB2_16-.Ltmp7, $4  }
0x115: {  	v10 =	vshll.u32 v10, $0x8  }
0x116: {  	v10 =	vor.u32 v8, v10  }
0x117: {  	v10 =	vor.u32 v7, v10  }
0x118: {  	[tilespmem:v11+s22+$0x0] =	vst.idx.msk vm1, v10  }
0x119: {  	_ =	sdelay $0x4  }
0x11a: {  	[tilespmem:v9+s23+$0x0] =	vst.idx.msk vm0, v10  }
0x11b: {  	[tilespmem:s25], [sflag:$0x1] =	stream.indirect.gather [hbm4b:s19+s24], $0x80, s22, s24, $0xb8;
	[tilespmem:$0x8500] =	vst v63  }
0x11c: {  	_ =	swait.ge [sflag:s26], $0x4000  }
0x11d: {  	[sflag:s26] =	ssyncset.done $0x0  }
0x11e: {  	[sflag:s26] =	ssyncadd.s32 $0xFFFFC000  }
0x11f: {  	[tilespmem:s28], [sflag:$0x1] =	stream.indirect.gather [hbm4b:s19+s24], $0x80, s23, s24, $0xb8;
	[tilespmem:$0x8500] =	vst v63  }
0x120: {  	s29 =	sadd.s32 $0x1, s29;
	_ =	swait.ge [sflag:s26], $0x4000  }
0x121: {  	p0 =	sne.s32 s29, s20;
	[sflag:s26] =	ssyncset.done $0x0  }
.Ltmp8:
0x122: {  	[sflag:s26] =	ssyncadd.s32 $0xFFFFC000;
	(pc) =	sbr.rel @p0 .LBB2_1-.Ltmp8, $4  }
0x123: {  	[hbm4b:s18+s1] =	stream.linear.scatter [tilespmem:s25], [sflag:$0x2], $0x8000, $0x38;
	[tilespmem:$0x8500] =	vst v63  }
0x124: {  	_ =	swait.ge [sflag:s21], $0x8000  }
0x125: {  	[sflag:s21] =	ssyncset.done $0x0  }
0x126: {  	[sflag:s21] =	ssyncadd.s32 $0xFFFF8000  }
0x127: {  	_ =	sfence.sel $0x180000  }
0x128: {  	[bflag:$0x0] =	sbarrier.arrive $0xFFFF  }
0x129: {  	_ =	strace $0x90000047  }
0x12a: {  	[bflag:$0x2] =	sbarrier.arrive $0xFFFF  }
0x12b: {  	p0 =	sne.s32 s0, $0x0;
	s0 =	rddreg [dreg:$0x1]  }
0x12c: {  	s0 =	sadd.s32 @!p0 $0x100000, s0  }
0x12d: {  	[sflag:s0] =	ssyncadd.tile.s32 @!p0 $0x1;
	_ =	shalt  }
.Lfunc_end2:
_tile_overlayer_lowered:
.L_overlay_start_2:
0x12e: {  	(tag) =	ssettag $0x2  }
0x12f: {  	s0 =	rddreg [dreg:$0x0];
	s2 =	stileid.u32  }
0x130: {  	s1 =	rddreg [dreg:$0x1];
	p0 =	sne.s32 s2, $0x0  }
0x131: {  	s3 =	rddreg [dreg:$0x2];
	[bflag:$0x3] =	sbarrier.arrive $0xFFFF;
	s2 =	simm.s32 @!p0 $0x1C02  }
0x132: {  	[timem:s3], [sflag:s2] =	dma.local @!p0 [hbm:s0], s1  }
0x133: {  	s0 =	simm.s32 @!p0 $0x2  }
0x134: {  	_ =	swait.ge @!p0 [sflag:s0], s1  }
0x135: {  	s1 =	ssub.s32 @!p0 $0x0, s1;
	[sflag:s0] =	ssyncset.done @!p0 $0x0  }
0x136: {  	[sflag:s0] =	ssyncadd.s32 @!p0 s1  }
0x137: {  	[bflag:$0x3] =	sbarrier.arrive $0xFFFF  }
0x138: {  	_ =	shalt  }

</sc_bundles>
